<compile_context>
chip_gen: v7x
topology: tpu7x:2x2x1
jax: 0.10.2.dev20260603
libtpu: 0.0.44.dev20260713+nightly
codegen_flags: <defaults>
</compile_context>

<pallas_src>
import functools

import jax
import jax.numpy as jnp
from jax import lax
from jax.experimental import pallas as pl
from jax.experimental.pallas import tpu as pltpu
from jax.experimental.pallas import tpu_sc as plsc

NC = 2
NS = 16
NW = NC * NS
CHUNK = 128
ROW_BLK = 256


def _make_agg(npad, d, chunks0, chunks1):
  ept0, ept1 = chunks0 * CHUNK, chunks1 * CHUNK
  cmax = max(chunks0, chunks1)
  rpt = npad // NS
  mesh = plsc.VectorSubcoreMesh(core_axis_name="c", subcore_axis_name="s")

  @functools.partial(
      pl.kernel,
      mesh=mesh,
      out_type=jax.ShapeDtypeStruct((NC, npad, d), jnp.float32),
      scratch_types=[
          pltpu.VMEM((CHUNK,), jnp.int32),
          pltpu.VMEM((CHUNK,), jnp.int32),
          pltpu.VMEM((CHUNK, d), jnp.float32),
          pltpu.VMEM_SHARED((npad, d), jnp.float32),
          pltpu.SemaphoreType.DMA,
      ],
  )
  def agg(h_hbm, src_hbm, dst_hbm, zrows_hbm, out_hbm, sidx, didx, rows, acc,
          sem):
    c = lax.axis_index("c")
    s = lax.axis_index("s")
    pltpu.sync_copy(zrows_hbm, acc.at[pl.ds(s * rpt, rpt)])
    plsc.subcore_barrier()

    base0 = c * (NS * ept0) + s * (ept0 + c * (ept1 - ept0))
    myc = chunks0 + c * (chunks1 - chunks0)

    def body(j, carry):
      @pl.when(j < myc)
      def _():
        base = pl.multiple_of(base0 + j * CHUNK, CHUNK)
        pltpu.sync_copy(src_hbm.at[pl.ds(base, CHUNK)], sidx)
        pltpu.sync_copy(dst_hbm.at[pl.ds(base, CHUNK)], didx)
        pltpu.async_copy(h_hbm.at[sidx], rows, sem).wait()
        pltpu.sync_copy(rows, acc.at[didx], add=True)

      return carry

    lax.fori_loop(0, cmax, body, 0)
    plsc.subcore_barrier()
    pltpu.sync_copy(acc.at[pl.ds(s * rpt, rpt)],
                    out_hbm.at[c, pl.ds(s * rpt, rpt)])

  return agg


def _make_deg(npad, ept):
  chunks = ept // CHUNK
  rpt = npad // NS
  mesh = plsc.VectorSubcoreMesh(core_axis_name="c", subcore_axis_name="s")

  @functools.partial(
      pl.kernel,
      mesh=mesh,
      out_type=jax.ShapeDtypeStruct((NC, npad, 128), jnp.float32),
      scratch_types=[
          pltpu.VMEM((CHUNK,), jnp.int32),
          pltpu.VMEM((CHUNK, 128), jnp.float32),
          pltpu.VMEM_SHARED((npad, 128), jnp.float32),
      ],
  )
  def deg(dst_hbm, zrows_hbm, ones_hbm, out_hbm, didx, ones_v, acc):
    c = lax.axis_index("c")
    s = lax.axis_index("s")
    wid = s * NC + c
    pltpu.sync_copy(zrows_hbm, acc.at[pl.ds(s * rpt, rpt)])
    pltpu.sync_copy(ones_hbm, ones_v)
    plsc.subcore_barrier()

    base0 = wid * ept

    def body(j, carry):
      base = pl.multiple_of(base0 + j * CHUNK, CHUNK)
      pltpu.sync_copy(dst_hbm.at[pl.ds(base, CHUNK)], didx)
      pltpu.sync_copy(ones_v, acc.at[didx], add=True)
      return carry

    lax.fori_loop(0, chunks, body, 0)
    plsc.subcore_barrier()
    pltpu.sync_copy(acc.at[pl.ds(s * rpt, rpt)],
                    out_hbm.at[c, pl.ds(s * rpt, rpt)])

  return deg


def _sage_mm_body(h_ref, a0_ref, a1_ref, d0_ref, d1_ref, ws_ref, wn_ref,
                  b_ref, o_ref, *, relu):
  deg = d0_ref[0, :, 0:1] + d1_ref[0, :, 0:1]
  r = 1.0 / jnp.maximum(deg, 1.0)
  hn = (a0_ref[0] + a1_ref[0]) * r
  acc = jnp.dot(h_ref[...], ws_ref[...], preferred_element_type=jnp.float32)
  acc = acc + jnp.dot(hn, wn_ref[...], preferred_element_type=jnp.float32)
  acc = acc + b_ref[...]
  if relu:
    acc = jnp.maximum(acc, 0.0)
  o_ref[...] = acc


def _sage_mm(h, aggp, degp, ws, wn, b, relu):
  npad, din = h.shape
  dout = ws.shape[1]
  grid = npad // ROW_BLK
  return pl.pallas_call(
      functools.partial(_sage_mm_body, relu=relu),
      grid=(grid,),
      in_specs=[
          pl.BlockSpec((ROW_BLK, din), lambda i: (i, 0)),
          pl.BlockSpec((1, ROW_BLK, din), lambda i: (0, i, 0)),
          pl.BlockSpec((1, ROW_BLK, din), lambda i: (1, i, 0)),
          pl.BlockSpec((1, ROW_BLK, 128), lambda i: (0, i, 0)),
          pl.BlockSpec((1, ROW_BLK, 128), lambda i: (1, i, 0)),
          pl.BlockSpec((din, dout), lambda i: (0, 0)),
          pl.BlockSpec((din, dout), lambda i: (0, 0)),
          pl.BlockSpec((1, dout), lambda i: (0, 0)),
      ],
      out_specs=pl.BlockSpec((ROW_BLK, dout), lambda i: (i, 0)),
      out_shape=jax.ShapeDtypeStruct((npad, dout), jnp.float32),
  )(h, aggp, aggp, degp, degp, ws, wn, b)


def _proj_body(h_ref, ws_ref, wn_ref, b_ref, s_ref, p_ref):
  h = h_ref[...]
  s_ref[...] = (
      jnp.dot(h, ws_ref[...], preferred_element_type=jnp.float32) + b_ref[...])
  p_ref[...] = jnp.dot(h, wn_ref[...], preferred_element_type=jnp.float32)


def _proj(h, ws, wn, b):
  npad, din = h.shape
  dout = ws.shape[1]
  grid = npad // ROW_BLK
  return pl.pallas_call(
      _proj_body,
      grid=(grid,),
      in_specs=[
          pl.BlockSpec((ROW_BLK, din), lambda i: (i, 0)),
          pl.BlockSpec((din, dout), lambda i: (0, 0)),
          pl.BlockSpec((din, dout), lambda i: (0, 0)),
          pl.BlockSpec((1, dout), lambda i: (0, 0)),
      ],
      out_specs=[
          pl.BlockSpec((ROW_BLK, dout), lambda i: (i, 0)),
          pl.BlockSpec((ROW_BLK, dout), lambda i: (i, 0)),
      ],
      out_shape=[
          jax.ShapeDtypeStruct((npad, dout), jnp.float32),
          jax.ShapeDtypeStruct((npad, dout), jnp.float32),
      ],
  )(h, ws, wn, b)


def _final_body(s_ref, a0_ref, a1_ref, d0_ref, d1_ref, o_ref):
  deg = d0_ref[0, :, 0:1] + d1_ref[0, :, 0:1]
  r = 1.0 / jnp.maximum(deg, 1.0)
  o_ref[...] = s_ref[...] + (a0_ref[0] + a1_ref[0]) * r


def _final(s, aggp, degp):
  npad, dout = s.shape
  grid = npad // ROW_BLK
  return pl.pallas_call(
      _final_body,
      grid=(grid,),
      in_specs=[
          pl.BlockSpec((ROW_BLK, dout), lambda i: (i, 0)),
          pl.BlockSpec((1, ROW_BLK, dout), lambda i: (0, i, 0)),
          pl.BlockSpec((1, ROW_BLK, dout), lambda i: (1, i, 0)),
          pl.BlockSpec((1, ROW_BLK, 128), lambda i: (0, i, 0)),
          pl.BlockSpec((1, ROW_BLK, 128), lambda i: (1, i, 0)),
      ],
      out_specs=pl.BlockSpec((ROW_BLK, dout), lambda i: (i, 0)),
      out_shape=jax.ShapeDtypeStruct((npad, dout), jnp.float32),
  )(s, aggp, aggp, degp, degp)


def kernel(x, edge_index, W_self_0, W_neigh_0, b_0, W_self_1, W_neigh_1, b_1,
           W_self_2, W_neigh_2, b_2):
  n, d_in = x.shape
  d_h = W_self_0.shape[1]
  d_out = W_self_2.shape[1]
  e = edge_index.shape[1]

  lcm = ROW_BLK
  while lcm % (NS * 8) != 0:
    lcm += ROW_BLK
  npad = -(-(n + 1) // lcm) * lcm
  chunks_pair = 2 * (-(-e // (NW * CHUNK)))
  chunks1 = int(round(chunks_pair * 0.62))
  chunks0 = chunks_pair - chunks1
  epad = NS * chunks_pair * CHUNK - e
  ept = (chunks_pair // 2) * CHUNK
  src = jnp.concatenate([edge_index[0], jnp.zeros((epad,), jnp.int32)])
  dst = jnp.concatenate(
      [edge_index[1], jnp.full((epad,), n, dtype=jnp.int32)])

  rpt = npad // NS
  z_h = jnp.zeros((rpt, d_h), jnp.float32)
  z_128 = jnp.zeros((rpt, 128), jnp.float32)
  ones128 = jnp.ones((CHUNK, 128), jnp.float32)

  x_p = jnp.pad(x, ((0, npad - n), (0, 0)))
  b0 = b_0.reshape(1, -1)
  b1 = b_1.reshape(1, -1)
  b2 = b_2.reshape(1, -1)

  deg_fn = _make_deg(npad, ept)
  agg_x = _make_agg(npad, d_in, chunks0, chunks1)
  agg_h = _make_agg(npad, d_h, chunks0, chunks1)

  degp = deg_fn(dst, z_128, ones128)

  a = agg_x(x_p, src, dst, jnp.zeros((rpt, d_in), jnp.float32))
  h1 = _sage_mm(x_p, a, degp, W_self_0, W_neigh_0, b0, relu=True)

  a = agg_h(h1, src, dst, z_h)
  h2 = _sage_mm(h1, a, degp, W_self_1, W_neigh_1, b1, relu=True)

  a = agg_h(h2, src, dst, z_h)
  out = _sage_mm(h2, a, degp, W_self_2, W_neigh_2, b2, relu=False)
  return out[:n]

# --- scband reference (transcript-rebuilt; emitter-appended) ---
"""Pipeline reference for scband-sage-37203006718147 (READ-ONLY COPY).

The authoritative reference and input builder live on the scoring server;
editing this copy changes nothing except your own understanding.
"""

import jax, jax.numpy as jnp
import numpy as np

N = 10000
E = 320000
D_IN = 128
D_H = 128
D_OUT = 64


def setup_inputs(seed: int = 0) -> dict:
    key = jax.random.key(seed)
    ks = jax.random.split(key, 12)
    x = jax.random.normal(ks[0], (N, D_IN), dtype=jnp.float32)
    edge_index = jax.random.randint(ks[1], (2, E), 0, N, dtype=jnp.int32)

    def init_w(k, fan_in, fan_out):
        return jax.random.normal(k, (fan_in, fan_out), dtype=jnp.float32) * (1.0 / np.sqrt(fan_in))

    W_self_0 = init_w(ks[2], D_IN, D_H)
    W_neigh_0 = init_w(ks[3], D_IN, D_H)
    b_0 = jnp.zeros((D_H,), dtype=jnp.float32)
    W_self_1 = init_w(ks[4], D_H, D_H)
    W_neigh_1 = init_w(ks[5], D_H, D_H)
    b_1 = jnp.zeros((D_H,), dtype=jnp.float32)
    W_self_2 = init_w(ks[6], D_H, D_OUT)
    W_neigh_2 = init_w(ks[7], D_H, D_OUT)
    b_2 = jnp.zeros((D_OUT,), dtype=jnp.float32)
    return {
        "x": x,
        "edge_index": edge_index,
        "W_self_0": W_self_0, "W_neigh_0": W_neigh_0, "b_0": b_0,
        "W_self_1": W_self_1, "W_neigh_1": W_neigh_1, "b_1": b_1,
        "W_self_2": W_self_2, "W_neigh_2": W_neigh_2, "b_2": b_2,
    }


def _sage_conv(h, src, dst, W_self, W_neigh, b):
    # DGL SAGEConv with mean aggregator:
    # h_neigh[v] = mean_{u in N(v)} h[u];  out = h @ W_self + h_neigh @ W_neigh + b
    msg = h[src]                                            # gather (SparseCore)
    agg = jax.ops.segment_sum(msg, dst, num_segments=N)     # scatter-add
    deg = jax.ops.segment_sum(jnp.ones((src.shape[0],), dtype=h.dtype), dst, num_segments=N)
    h_neigh = agg / jnp.maximum(deg, 1.0)[:, None]
    return h @ W_self + h_neigh @ W_neigh + b


def reference(x, edge_index,
              W_self_0, W_neigh_0, b_0,
              W_self_1, W_neigh_1, b_1,
              W_self_2, W_neigh_2, b_2):
    src = edge_index[0]
    dst = edge_index[1]
    h = _sage_conv(x, src, dst, W_self_0, W_neigh_0, b_0)
    h = jax.nn.relu(h)
    # dropout p=0.0 in eval mode -> identity
    h = _sage_conv(h, src, dst, W_self_1, W_neigh_1, b_1)
    h = jax.nn.relu(h)
    h = _sage_conv(h, src, dst, W_self_2, W_neigh_2, b_2)
    return h

if __name__ == "__main__":
    import jax
    _d = setup_inputs()
    print(jax.jit(kernel)(*tuple(_d.values())))

</pallas_src>

<mosaic_0001>
#map = affine_map<(d0, d1) -> (0, 0)>
#map1 = affine_map<(d0, d1) -> (0)>
#map2 = affine_map<(d0, d1) -> (0, 0, 0)>
module attributes {stable_mosaic.version = 14 : i64} {
  func.func @agg(%arg0: i32, %arg1: i32, %arg2: memref<10240x128xf32, #tpu.memory_space<hbm>>, %arg3: memref<323584xi32, #tpu.memory_space<hbm>>, %arg4: memref<323584xi32, #tpu.memory_space<hbm>>, %arg5: memref<640x128xf32, #tpu.memory_space<hbm>>, %arg6: memref<2x10240x128xf32, #tpu.memory_space<hbm>>, %arg7: memref<128xi32, #tpu.memory_space<vmem>>, %arg8: memref<128xi32, #tpu.memory_space<vmem>>, %arg9: memref<128x128xf32, #tpu.memory_space<vmem>>, %arg10: memref<10240x128xf32, #tpu.memory_space<vmem_shared>>, %arg11: memref<!tpu.dma_semaphore, #tpu.memory_space<semaphore_mem>>) attributes {dimension_semantics = [#tpu.dimension_semantics<core_parallel>, #tpu.dimension_semantics<subcore_parallel>], iteration_bounds = array<i64: 2, 16>, scalar_prefetch = 0 : i64, scratch_operands = 5 : i64, tpu.core_type = #tpu.core_type<sc_vector_subcore>, window_params = [{transform_indices = #map}, {transform_indices = #map1}, {transform_indices = #map1}, {transform_indices = #map}, {transform_indices = #map2}]} {
    %mul3A = arith.constant 640 : i32
    %mul3A_0 = arith.muli %arg1, %mul3A : i32
    "tpu.region"() ({
      %run_scoped3A = tpu.sem_alloc : memref<!tpu.dma_semaphore, #tpu.memory_space<semaphore_mem>>
      %dma_start3A = arith.constant 0 : i32
      %dma_start3A_22 = tpu.memref_slice %arg10[%mul3A_0, %dma_start3A] : memref<10240x128xf32, #tpu.memory_space<vmem_shared>> -> memref<640x128xf32, #tpu.memory_space<vmem_shared>>
      tpu.enqueue_dma source(%arg5 : memref<640x128xf32, #tpu.memory_space<hbm>>) target(%dma_start3A_22 : memref<640x128xf32, #tpu.memory_space<vmem_shared>>) target_semaphore(%run_scoped3A : memref<!tpu.dma_semaphore, #tpu.memory_space<semaphore_mem>>)
      %dma_wait3A = arith.constant 0 : i32
      %dma_wait3A_23 = tpu.memref_slice %arg10[%mul3A_0, %dma_wait3A] : memref<10240x128xf32, #tpu.memory_space<vmem_shared>> -> memref<640x128xf32, #tpu.memory_space<vmem_shared>>
      tpu.wait_dma2 semaphore(%run_scoped3A : memref<!tpu.dma_semaphore, #tpu.memory_space<semaphore_mem>>) src(%arg5 : memref<640x128xf32, #tpu.memory_space<hbm>>) dst(%dma_wait3A_23 : memref<640x128xf32, #tpu.memory_space<vmem_shared>>)
      tpu.yield
    }) : () -> ()
    %barrier3A = arith.constant 0 : index
    tpu.barrier barrier_id(%barrier3A)
    %mul3A_1 = arith.constant 122880 : i32
    %mul3A_2 = arith.muli %arg0, %mul3A_1 : i32
    %mul3A_3 = arith.constant 4864 : i32
    %mul3A_4 = arith.muli %arg0, %mul3A_3 : i32
    %add3A = arith.constant 7680 : i32
    %add3A_5 = arith.addi %add3A, %mul3A_4 : i32
    %mul3A_6 = arith.muli %arg1, %add3A_5 : i32
    %add3A_7 = arith.addi %mul3A_2, %mul3A_6 : i32
    %mul3A_8 = arith.constant 38 : i32
    %mul3A_9 = arith.muli %arg0, %mul3A_8 : i32
    %add3A_10 = arith.constant 60 : i32
    %add3A_11 = arith.addi %add3A_10, %mul3A_9 : i32
    %scan3A = arith.constant 0 : i32
    %scan3A_12 = arith.constant 0 : i32
    %scan3A_13 = arith.constant 98 : i32
    %scan3A_14 = arith.addi %scan3A_12, %scan3A_13 : i32
    %scan3A_15 = arith.constant 1 : i32
    scf.for %scan3A_22 = %scan3A_12 to %scan3A_14 step %scan3A_15  : i32 {
      %lt3A = arith.cmpi slt, %scan3A_22, %add3A_11 : i32
      %convert_element_type3A = arith.extui %lt3A : i1 to i32
      %cond3A = arith.constant 0 : i32
      %cond3A_23 = arith.cmpi ne, %convert_element_type3A, %cond3A : i32
      scf.if %cond3A_23 {
        %mul3A_24 = arith.constant 128 : i32
        %mul3A_25 = arith.muli %scan3A_22, %mul3A_24 : i32
        %add3A_26 = arith.addi %add3A_7, %mul3A_25 : i32
        %multiple_of3A = tpu.assume_multiple %add3A_26, 128 : i32
        "tpu.region"() ({
          %run_scoped3A = tpu.sem_alloc : memref<!tpu.dma_semaphore, #tpu.memory_space<semaphore_mem>>
          %dma_start3A_31 = tpu.memref_slice %arg3[%multiple_of3A] : memref<323584xi32, #tpu.memory_space<hbm>> -> memref<128xi32, #tpu.memory_space<hbm>>
          %dma_start3A_32 = tpu.memref_slice %arg3[%multiple_of3A] : memref<323584xi32, #tpu.memory_space<hbm>> -> memref<128xi32, #tpu.memory_space<hbm>>
          tpu.enqueue_dma source(%dma_start3A_32 : memref<128xi32, #tpu.memory_space<hbm>>) target(%arg7 : memref<128xi32, #tpu.memory_space<vmem>>) target_semaphore(%run_scoped3A : memref<!tpu.dma_semaphore, #tpu.memory_space<semaphore_mem>>)
          %dma_wait3A_33 = tpu.memref_slice %arg3[%multiple_of3A] : memref<323584xi32, #tpu.memory_space<hbm>> -> memref<128xi32, #tpu.memory_space<hbm>>
          %dma_wait3A_34 = tpu.memref_slice %arg3[%multiple_of3A] : memref<323584xi32, #tpu.memory_space<hbm>> -> memref<128xi32, #tpu.memory_space<hbm>>
          tpu.wait_dma2 semaphore(%run_scoped3A : memref<!tpu.dma_semaphore, #tpu.memory_space<semaphore_mem>>) src(%dma_wait3A_34 : memref<128xi32, #tpu.memory_space<hbm>>) dst(%arg7 : memref<128xi32, #tpu.memory_space<vmem>>)
          tpu.yield
        }) : () -> ()
        "tpu.region"() ({
          %run_scoped3A = tpu.sem_alloc : memref<!tpu.dma_semaphore, #tpu.memory_space<semaphore_mem>>
          %dma_start3A_31 = tpu.memref_slice %arg4[%multiple_of3A] : memref<323584xi32, #tpu.memory_space<hbm>> -> memref<128xi32, #tpu.memory_space<hbm>>
          %dma_start3A_32 = tpu.memref_slice %arg4[%multiple_of3A] : memref<323584xi32, #tpu.memory_space<hbm>> -> memref<128xi32, #tpu.memory_space<hbm>>
          tpu.enqueue_dma source(%dma_start3A_32 : memref<128xi32, #tpu.memory_space<hbm>>) target(%arg8 : memref<128xi32, #tpu.memory_space<vmem>>) target_semaphore(%run_scoped3A : memref<!tpu.dma_semaphore, #tpu.memory_space<semaphore_mem>>)
          %dma_wait3A_33 = tpu.memref_slice %arg4[%multiple_of3A] : memref<323584xi32, #tpu.memory_space<hbm>> -> memref<128xi32, #tpu.memory_space<hbm>>
          %dma_wait3A_34 = tpu.memref_slice %arg4[%multiple_of3A] : memref<323584xi32, #tpu.memory_space<hbm>> -> memref<128xi32, #tpu.memory_space<hbm>>
          tpu.wait_dma2 semaphore(%run_scoped3A : memref<!tpu.dma_semaphore, #tpu.memory_space<semaphore_mem>>) src(%dma_wait3A_34 : memref<128xi32, #tpu.memory_space<hbm>>) dst(%arg8 : memref<128xi32, #tpu.memory_space<vmem>>)
          tpu.yield
        }) : () -> ()
        %dma_start3A = arith.constant 0 : i32
        %dma_start3A_27 = arith.constant 0 : i32
        %dma_start3A_28 = tpu.memref_slice %arg2[%dma_start3A, %dma_start3A_27] : memref<10240x128xf32, #tpu.memory_space<hbm>> -> memref<10240x128xf32, #tpu.memory_space<hbm>>
        tpu.enqueue_indirect_dma source(%dma_start3A_28 : memref<10240x128xf32, #tpu.memory_space<hbm>>) target(%arg9 : memref<128x128xf32, #tpu.memory_space<vmem>>) offsets(%arg7 : memref<128xi32, #tpu.memory_space<vmem>>) semaphore(%arg11 : memref<!tpu.dma_semaphore, #tpu.memory_space<semaphore_mem>>)
        %dma_wait3A = arith.constant 0 : i32
        %dma_wait3A_29 = arith.constant 0 : i32
        %dma_wait3A_30 = tpu.memref_slice %arg2[%dma_wait3A, %dma_wait3A_29] : memref<10240x128xf32, #tpu.memory_space<hbm>> -> memref<10240x128xf32, #tpu.memory_space<hbm>>
        tpu.wait_indirect_dma semaphore(%arg11 : memref<!tpu.dma_semaphore, #tpu.memory_space<semaphore_mem>>) src(%dma_wait3A_30 : memref<10240x128xf32, #tpu.memory_space<hbm>>) dst(%arg9 : memref<128x128xf32, #tpu.memory_space<vmem>>)
        "tpu.region"() ({
          %run_scoped3A = tpu.sem_alloc : memref<!tpu.dma_semaphore, #tpu.memory_space<semaphore_mem>>
          %dma_start3A_31 = arith.constant 0 : i32
          %dma_start3A_32 = arith.constant 0 : i32
          %dma_start3A_33 = tpu.memref_slice %arg10[%dma_start3A_31, %dma_start3A_32] : memref<10240x128xf32, #tpu.memory_space<vmem_shared>> -> memref<10240x128xf32, #tpu.memory_space<vmem_shared>>
          tpu.enqueue_indirect_dma source(%arg9 : memref<128x128xf32, #tpu.memory_space<vmem>>) target(%dma_start3A_33 : memref<10240x128xf32, #tpu.memory_space<vmem_shared>>) offsets(%arg8 : memref<128xi32, #tpu.memory_space<vmem>>) semaphore(%run_scoped3A : memref<!tpu.dma_semaphore, #tpu.memory_space<semaphore_mem>>) {add = true}
          %dma_wait3A_34 = arith.constant 0 : i32
          %dma_wait3A_35 = arith.constant 0 : i32
          %dma_wait3A_36 = tpu.memref_slice %arg10[%dma_wait3A_34, %dma_wait3A_35] : memref<10240x128xf32, #tpu.memory_space<vmem_shared>> -> memref<10240x128xf32, #tpu.memory_space<vmem_shared>>
          tpu.wait_indirect_dma semaphore(%run_scoped3A : memref<!tpu.dma_semaphore, #tpu.memory_space<semaphore_mem>>) src(%arg9 : memref<128x128xf32, #tpu.memory_space<vmem>>) dst(%dma_wait3A_36 : memref<10240x128xf32, #tpu.memory_space<vmem_shared>>)
          tpu.yield
        }) : () -> ()
      } else {
      }
    }
    %scan3A_16 = arith.constant 98 : i32
    %barrier3A_17 = arith.constant 0 : index
    tpu.barrier barrier_id(%barrier3A_17)
    %mul3A_18 = arith.constant 640 : i32
    %mul3A_19 = arith.muli %arg1, %mul3A_18 : i32
    %mul3A_20 = arith.constant 640 : i32
    %mul3A_21 = arith.muli %arg1, %mul3A_20 : i32
    "tpu.region"() ({
      %run_scoped3A = tpu.sem_alloc : memref<!tpu.dma_semaphore, #tpu.memory_space<semaphore_mem>>
      %dma_start3A = arith.constant 0 : i32
      %dma_start3A_22 = tpu.memref_slice %arg6[%arg0, %mul3A_21, %dma_start3A] : memref<2x10240x128xf32, #tpu.memory_space<hbm>> -> memref<1x640x128xf32, #tpu.memory_space<hbm>>
      %dma_start3A_23 = tpu.memref_squeeze %dma_start3A_22 : memref<1x640x128xf32, #tpu.memory_space<hbm>> -> memref<640x128xf32, #tpu.memory_space<hbm>>
      %dma_start3A_24 = arith.constant 0 : i32
      %dma_start3A_25 = tpu.memref_slice %arg10[%mul3A_19, %dma_start3A_24] : memref<10240x128xf32, #tpu.memory_space<vmem_shared>> -> memref<640x128xf32, #tpu.memory_space<vmem_shared>>
      tpu.enqueue_dma source(%dma_start3A_25 : memref<640x128xf32, #tpu.memory_space<vmem_shared>>) target(%dma_start3A_23 : memref<640x128xf32, #tpu.memory_space<hbm>>) target_semaphore(%run_scoped3A : memref<!tpu.dma_semaphore, #tpu.memory_space<semaphore_mem>>)
      %dma_wait3A = arith.constant 0 : i32
      %dma_wait3A_26 = tpu.memref_slice %arg6[%arg0, %mul3A_21, %dma_wait3A] : memref<2x10240x128xf32, #tpu.memory_space<hbm>> -> memref<1x640x128xf32, #tpu.memory_space<hbm>>
      %dma_wait3A_27 = tpu.memref_squeeze %dma_wait3A_26 : memref<1x640x128xf32, #tpu.memory_space<hbm>> -> memref<640x128xf32, #tpu.memory_space<hbm>>
      %dma_wait3A_28 = arith.constant 0 : i32
      %dma_wait3A_29 = tpu.memref_slice %arg10[%mul3A_19, %dma_wait3A_28] : memref<10240x128xf32, #tpu.memory_space<vmem_shared>> -> memref<640x128xf32, #tpu.memory_space<vmem_shared>>
      tpu.wait_dma2 semaphore(%run_scoped3A : memref<!tpu.dma_semaphore, #tpu.memory_space<semaphore_mem>>) src(%dma_wait3A_29 : memref<640x128xf32, #tpu.memory_space<vmem_shared>>) dst(%dma_wait3A_27 : memref<640x128xf32, #tpu.memory_space<hbm>>)
      tpu.yield
    }) : () -> ()
    return
  }
}

#map = affine_map<(d0, d1) -> (0, 0)>
#map1 = affine_map<(d0, d1) -> (0)>
#map2 = affine_map<(d0, d1) -> (0, 0, 0)>
module attributes {stable_mosaic.version = 14 : i64} {
  func.func @agg(%arg0: i32, %arg1: i32, %arg2: memref<10240x128xf32, #tpu.memory_space<hbm>>, %arg3: memref<323584xi32, #tpu.memory_space<hbm>>, %arg4: memref<323584xi32, #tpu.memory_space<hbm>>, %arg5: memref<640x128xf32, #tpu.memory_space<hbm>>, %arg6: memref<2x10240x128xf32, #tpu.memory_space<hbm>>, %arg7: memref<128xi32, #tpu.memory_space<vmem>>, %arg8: memref<128xi32, #tpu.memory_space<vmem>>, %arg9: memref<128x128xf32, #tpu.memory_space<vmem>>, %arg10: memref<10240x128xf32, #tpu.memory_space<vmem_shared>>, %arg11: memref<!tpu.dma_semaphore, #tpu.memory_space<semaphore_mem>>) attributes {dimension_semantics = [#tpu.dimension_semantics<core_parallel>, #tpu.dimension_semantics<subcore_parallel>], iteration_bounds = array<i64: 2, 16>, scalar_prefetch = 0 : i64, scratch_operands = 5 : i64, tpu.core_type = #tpu.core_type<sc_vector_subcore>, window_params = [{transform_indices = #map}, {transform_indices = #map1}, {transform_indices = #map1}, {transform_indices = #map}, {transform_indices = #map2}]} {
    %mul3A = arith.constant 640 : i32
    %mul3A_0 = arith.muli %arg1, %mul3A : i32
    "tpu.region"() ({
      %run_scoped3A = tpu.sem_alloc : memref<!tpu.dma_semaphore, #tpu.memory_space<semaphore_mem>>
      %dma_start3A = arith.constant 0 : i32
      %dma_start3A_22 = tpu.memref_slice %arg10[%mul3A_0, %dma_start3A] : memref<10240x128xf32, #tpu.memory_space<vmem_shared>> -> memref<640x128xf32, #tpu.memory_space<vmem_shared>>
      tpu.enqueue_dma source(%arg5 : memref<640x128xf32, #tpu.memory_space<hbm>>) target(%dma_start3A_22 : memref<640x128xf32, #tpu.memory_space<vmem_shared>>) target_semaphore(%run_scoped3A : memref<!tpu.dma_semaphore, #tpu.memory_space<semaphore_mem>>)
      %dma_wait3A = arith.constant 0 : i32
      %dma_wait3A_23 = tpu.memref_slice %arg10[%mul3A_0, %dma_wait3A] : memref<10240x128xf32, #tpu.memory_space<vmem_shared>> -> memref<640x128xf32, #tpu.memory_space<vmem_shared>>
      tpu.wait_dma2 semaphore(%run_scoped3A : memref<!tpu.dma_semaphore, #tpu.memory_space<semaphore_mem>>) src(%arg5 : memref<640x128xf32, #tpu.memory_space<hbm>>) dst(%dma_wait3A_23 : memref<640x128xf32, #tpu.memory_space<vmem_shared>>)
      tpu.yield
    }) : () -> ()
    %barrier3A = arith.constant 0 : index
    tpu.barrier barrier_id(%barrier3A)
    %mul3A_1 = arith.constant 122880 : i32
    %mul3A_2 = arith.muli %arg0, %mul3A_1 : i32
    %mul3A_3 = arith.constant 4864 : i32
    %mul3A_4 = arith.muli %arg0, %mul3A_3 : i32
    %add3A = arith.constant 7680 : i32
    %add3A_5 = arith.addi %add3A, %mul3A_4 : i32
    %mul3A_6 = arith.muli %arg1, %add3A_5 : i32
    %add3A_7 = arith.addi %mul3A_2, %mul3A_6 : i32
    %mul3A_8 = arith.constant 38 : i32
    %mul3A_9 = arith.muli %arg0, %mul3A_8 : i32
    %add3A_10 = arith.constant 60 : i32
    %add3A_11 = arith.addi %add3A_10, %mul3A_9 : i32
    %scan3A = arith.constant 0 : i32
    %scan3A_12 = arith.constant 0 : i32
    %scan3A_13 = arith.constant 98 : i32
    %scan3A_14 = arith.addi %scan3A_12, %scan3A_13 : i32
    %scan3A_15 = arith.constant 1 : i32
    scf.for %scan3A_22 = %scan3A_12 to %scan3A_14 step %scan3A_15  : i32 {
      %lt3A = arith.cmpi slt, %scan3A_22, %add3A_11 : i32
      %convert_element_type3A = arith.extui %lt3A : i1 to i32
      %cond3A = arith.constant 0 : i32
      %cond3A_23 = arith.cmpi ne, %convert_element_type3A, %cond3A : i32
      scf.if %cond3A_23 {
        %mul3A_24 = arith.constant 128 : i32
        %mul3A_25 = arith.muli %scan3A_22, %mul3A_24 : i32
        %add3A_26 = arith.addi %add3A_7, %mul3A_25 : i32
        %multiple_of3A = tpu.assume_multiple %add3A_26, 128 : i32
        "tpu.region"() ({
          %run_scoped3A = tpu.sem_alloc : memref<!tpu.dma_semaphore, #tpu.memory_space<semaphore_mem>>
          %dma_start3A_31 = tpu.memref_slice %arg3[%multiple_of3A] : memref<323584xi32, #tpu.memory_space<hbm>> -> memref<128xi32, #tpu.memory_space<hbm>>
          %dma_start3A_32 = tpu.memref_slice %arg3[%multiple_of3A] : memref<323584xi32, #tpu.memory_space<hbm>> -> memref<128xi32, #tpu.memory_space<hbm>>
          tpu.enqueue_dma source(%dma_start3A_32 : memref<128xi32, #tpu.memory_space<hbm>>) target(%arg7 : memref<128xi32, #tpu.memory_space<vmem>>) target_semaphore(%run_scoped3A : memref<!tpu.dma_semaphore, #tpu.memory_space<semaphore_mem>>)
          %dma_wait3A_33 = tpu.memref_slice %arg3[%multiple_of3A] : memref<323584xi32, #tpu.memory_space<hbm>> -> memref<128xi32, #tpu.memory_space<hbm>>
          %dma_wait3A_34 = tpu.memref_slice %arg3[%multiple_of3A] : memref<323584xi32, #tpu.memory_space<hbm>> -> memref<128xi32, #tpu.memory_space<hbm>>
          tpu.wait_dma2 semaphore(%run_scoped3A : memref<!tpu.dma_semaphore, #tpu.memory_space<semaphore_mem>>) src(%dma_wait3A_34 : memref<128xi32, #tpu.memory_space<hbm>>) dst(%arg7 : memref<128xi32, #tpu.memory_space<vmem>>)
          tpu.yield
        }) : () -> ()
        "tpu.region"() ({
          %run_scoped3A = tpu.sem_alloc : memref<!tpu.dma_semaphore, #tpu.memory_space<semaphore_mem>>
          %dma_start3A_31 = tpu.memref_slice %arg4[%multiple_of3A] : memref<323584xi32, #tpu.memory_space<hbm>> -> memref<128xi32, #tpu.memory_space<hbm>>
          %dma_start3A_32 = tpu.memref_slice %arg4[%multiple_of3A] : memref<323584xi32, #tpu.memory_space<hbm>> -> memref<128xi32, #tpu.memory_space<hbm>>
          tpu.enqueue_dma source(%dma_start3A_32 : memref<128xi32, #tpu.memory_space<hbm>>) target(%arg8 : memref<128xi32, #tpu.memory_space<vmem>>) target_semaphore(%run_scoped3A : memref<!tpu.dma_semaphore, #tpu.memory_space<semaphore_mem>>)
          %dma_wait3A_33 = tpu.memref_slice %arg4[%multiple_of3A] : memref<323584xi32, #tpu.memory_space<hbm>> -> memref<128xi32, #tpu.memory_space<hbm>>
          %dma_wait3A_34 = tpu.memref_slice %arg4[%multiple_of3A] : memref<323584xi32, #tpu.memory_space<hbm>> -> memref<128xi32, #tpu.memory_space<hbm>>
          tpu.wait_dma2 semaphore(%run_scoped3A : memref<!tpu.dma_semaphore, #tpu.memory_space<semaphore_mem>>) src(%dma_wait3A_34 : memref<128xi32, #tpu.memory_space<hbm>>) dst(%arg8 : memref<128xi32, #tpu.memory_space<vmem>>)
          tpu.yield
        }) : () -> ()
        %dma_start3A = arith.constant 0 : i32
        %dma_start3A_27 = arith.constant 0 : i32
        %dma_start3A_28 = tpu.memref_slice %arg2[%dma_start3A, %dma_start3A_27] : memref<10240x128xf32, #tpu.memory_space<hbm>> -> memref<10240x128xf32, #tpu.memory_space<hbm>>
        tpu.enqueue_indirect_dma source(%dma_start3A_28 : memref<10240x128xf32, #tpu.memory_space<hbm>>) target(%arg9 : memref<128x128xf32, #tpu.memory_space<vmem>>) offsets(%arg7 : memref<128xi32, #tpu.memory_space<vmem>>) semaphore(%arg11 : memref<!tpu.dma_semaphore, #tpu.memory_space<semaphore_mem>>)
        %dma_wait3A = arith.constant 0 : i32
        %dma_wait3A_29 = arith.constant 0 : i32
        %dma_wait3A_30 = tpu.memref_slice %arg2[%dma_wait3A, %dma_wait3A_29] : memref<10240x128xf32, #tpu.memory_space<hbm>> -> memref<10240x128xf32, #tpu.memory_space<hbm>>
        tpu.wait_indirect_dma semaphore(%arg11 : memref<!tpu.dma_semaphore, #tpu.memory_space<semaphore_mem>>) src(%dma_wait3A_30 : memref<10240x128xf32, #tpu.memory_space<hbm>>) dst(%arg9 : memref<128x128xf32, #tpu.memory_space<vmem>>)
        "tpu.region"() ({
          %run_scoped3A = tpu.sem_alloc : memref<!tpu.dma_semaphore, #tpu.memory_space<semaphore_mem>>
          %dma_start3A_31 = arith.constant 0 : i32
          %dma_start3A_32 = arith.constant 0 : i32
          %dma_start3A_33 = tpu.memref_slice %arg10[%dma_start3A_31, %dma_start3A_32] : memref<10240x128xf32, #tpu.memory_space<vmem_shared>> -> memref<10240x128xf32, #tpu.memory_space<vmem_shared>>
          tpu.enqueue_indirect_dma source(%arg9 : memref<128x128xf32, #tpu.memory_space<vmem>>) target(%dma_start3A_33 : memref<10240x128xf32, #tpu.memory_space<vmem_shared>>) offsets(%arg8 : memref<128xi32, #tpu.memory_space<vmem>>) semaphore(%run_scoped3A : memref<!tpu.dma_semaphore, #tpu.memory_space<semaphore_mem>>) {add = true}
          %dma_wait3A_34 = arith.constant 0 : i32
          %dma_wait3A_35 = arith.constant 0 : i32
          %dma_wait3A_36 = tpu.memref_slice %arg10[%dma_wait3A_34, %dma_wait3A_35] : memref<10240x128xf32, #tpu.memory_space<vmem_shared>> -> memref<10240x128xf32, #tpu.memory_space<vmem_shared>>
          tpu.wait_indirect_dma semaphore(%run_scoped3A : memref<!tpu.dma_semaphore, #tpu.memory_space<semaphore_mem>>) src(%arg9 : memref<128x128xf32, #tpu.memory_space<vmem>>) dst(%dma_wait3A_36 : memref<10240x128xf32, #tpu.memory_space<vmem_shared>>)
          tpu.yield
        }) : () -> ()
      } else {
      }
    }
    %scan3A_16 = arith.constant 98 : i32
    %barrier3A_17 = arith.constant 0 : index
    tpu.barrier barrier_id(%barrier3A_17)
    %mul3A_18 = arith.constant 640 : i32
    %mul3A_19 = arith.muli %arg1, %mul3A_18 : i32
    %mul3A_20 = arith.constant 640 : i32
    %mul3A_21 = arith.muli %arg1, %mul3A_20 : i32
    "tpu.region"() ({
      %run_scoped3A = tpu.sem_alloc : memref<!tpu.dma_semaphore, #tpu.memory_space<semaphore_mem>>
      %dma_start3A = arith.constant 0 : i32
      %dma_start3A_22 = tpu.memref_slice %arg6[%arg0, %mul3A_21, %dma_start3A] : memref<2x10240x128xf32, #tpu.memory_space<hbm>> -> memref<1x640x128xf32, #tpu.memory_space<hbm>>
      %dma_start3A_23 = tpu.memref_squeeze %dma_start3A_22 : memref<1x640x128xf32, #tpu.memory_space<hbm>> -> memref<640x128xf32, #tpu.memory_space<hbm>>
      %dma_start3A_24 = arith.constant 0 : i32
      %dma_start3A_25 = tpu.memref_slice %arg10[%mul3A_19, %dma_start3A_24] : memref<10240x128xf32, #tpu.memory_space<vmem_shared>> -> memref<640x128xf32, #tpu.memory_space<vmem_shared>>
      tpu.enqueue_dma source(%dma_start3A_25 : memref<640x128xf32, #tpu.memory_space<vmem_shared>>) target(%dma_start3A_23 : memref<640x128xf32, #tpu.memory_space<hbm>>) target_semaphore(%run_scoped3A : memref<!tpu.dma_semaphore, #tpu.memory_space<semaphore_mem>>)
      %dma_wait3A = arith.constant 0 : i32
      %dma_wait3A_26 = tpu.memref_slice %arg6[%arg0, %mul3A_21, %dma_wait3A] : memref<2x10240x128xf32, #tpu.memory_space<hbm>> -> memref<1x640x128xf32, #tpu.memory_space<hbm>>
      %dma_wait3A_27 = tpu.memref_squeeze %dma_wait3A_26 : memref<1x640x128xf32, #tpu.memory_space<hbm>> -> memref<640x128xf32, #tpu.memory_space<hbm>>
      %dma_wait3A_28 = arith.constant 0 : i32
      %dma_wait3A_29 = tpu.memref_slice %arg10[%mul3A_19, %dma_wait3A_28] : memref<10240x128xf32, #tpu.memory_space<vmem_shared>> -> memref<640x128xf32, #tpu.memory_space<vmem_shared>>
      tpu.wait_dma2 semaphore(%run_scoped3A : memref<!tpu.dma_semaphore, #tpu.memory_space<semaphore_mem>>) src(%dma_wait3A_29 : memref<640x128xf32, #tpu.memory_space<vmem_shared>>) dst(%dma_wait3A_27 : memref<640x128xf32, #tpu.memory_space<hbm>>)
      tpu.yield
    }) : () -> ()
    return
  }
}

#map = affine_map<(d0, d1) -> (0, 0)>
#map1 = affine_map<(d0, d1) -> (0)>
#map2 = affine_map<(d0, d1) -> (0, 0, 0)>
module attributes {stable_mosaic.version = 14 : i64} {
  func.func @agg(%arg0: i32, %arg1: i32, %arg2: memref<10240x128xf32, #tpu.memory_space<hbm>>, %arg3: memref<323584xi32, #tpu.memory_space<hbm>>, %arg4: memref<323584xi32, #tpu.memory_space<hbm>>, %arg5: memref<640x128xf32, #tpu.memory_space<hbm>>, %arg6: memref<2x10240x128xf32, #tpu.memory_space<hbm>>, %arg7: memref<128xi32, #tpu.memory_space<vmem>>, %arg8: memref<128xi32, #tpu.memory_space<vmem>>, %arg9: memref<128x128xf32, #tpu.memory_space<vmem>>, %arg10: memref<10240x128xf32, #tpu.memory_space<vmem_shared>>, %arg11: memref<!tpu.dma_semaphore, #tpu.memory_space<semaphore_mem>>) attributes {dimension_semantics = [#tpu.dimension_semantics<core_parallel>, #tpu.dimension_semantics<subcore_parallel>], iteration_bounds = array<i64: 2, 16>, scalar_prefetch = 0 : i64, scratch_operands = 5 : i64, tpu.core_type = #tpu.core_type<sc_vector_subcore>, window_params = [{transform_indices = #map}, {transform_indices = #map1}, {transform_indices = #map1}, {transform_indices = #map}, {transform_indices = #map2}]} {
    %mul3A = arith.constant 640 : i32
    %mul3A_0 = arith.muli %arg1, %mul3A : i32
    "tpu.region"() ({
      %run_scoped3A = tpu.sem_alloc : memref<!tpu.dma_semaphore, #tpu.memory_space<semaphore_mem>>
      %dma_start3A = arith.constant 0 : i32
      %dma_start3A_22 = tpu.memref_slice %arg10[%mul3A_0, %dma_start3A] : memref<10240x128xf32, #tpu.memory_space<vmem_shared>> -> memref<640x128xf32, #tpu.memory_space<vmem_shared>>
      tpu.enqueue_dma source(%arg5 : memref<640x128xf32, #tpu.memory_space<hbm>>) target(%dma_start3A_22 : memref<640x128xf32, #tpu.memory_space<vmem_shared>>) target_semaphore(%run_scoped3A : memref<!tpu.dma_semaphore, #tpu.memory_space<semaphore_mem>>)
      %dma_wait3A = arith.constant 0 : i32
      %dma_wait3A_23 = tpu.memref_slice %arg10[%mul3A_0, %dma_wait3A] : memref<10240x128xf32, #tpu.memory_space<vmem_shared>> -> memref<640x128xf32, #tpu.memory_space<vmem_shared>>
      tpu.wait_dma2 semaphore(%run_scoped3A : memref<!tpu.dma_semaphore, #tpu.memory_space<semaphore_mem>>) src(%arg5 : memref<640x128xf32, #tpu.memory_space<hbm>>) dst(%dma_wait3A_23 : memref<640x128xf32, #tpu.memory_space<vmem_shared>>)
      tpu.yield
    }) : () -> ()
    %barrier3A = arith.constant 0 : index
    tpu.barrier barrier_id(%barrier3A)
    %mul3A_1 = arith.constant 122880 : i32
    %mul3A_2 = arith.muli %arg0, %mul3A_1 : i32
    %mul3A_3 = arith.constant 4864 : i32
    %mul3A_4 = arith.muli %arg0, %mul3A_3 : i32
    %add3A = arith.constant 7680 : i32
    %add3A_5 = arith.addi %add3A, %mul3A_4 : i32
    %mul3A_6 = arith.muli %arg1, %add3A_5 : i32
    %add3A_7 = arith.addi %mul3A_2, %mul3A_6 : i32
    %mul3A_8 = arith.constant 38 : i32
    %mul3A_9 = arith.muli %arg0, %mul3A_8 : i32
    %add3A_10 = arith.constant 60 : i32
    %add3A_11 = arith.addi %add3A_10, %mul3A_9 : i32
    %scan3A = arith.constant 0 : i32
    %scan3A_12 = arith.constant 0 : i32
    %scan3A_13 = arith.constant 98 : i32
    %scan3A_14 = arith.addi %scan3A_12, %scan3A_13 : i32
    %scan3A_15 = arith.constant 1 : i32
    scf.for %scan3A_22 = %scan3A_12 to %scan3A_14 step %scan3A_15  : i32 {
      %lt3A = arith.cmpi slt, %scan3A_22, %add3A_11 : i32
      %convert_element_type3A = arith.extui %lt3A : i1 to i32
      %cond3A = arith.constant 0 : i32
      %cond3A_23 = arith.cmpi ne, %convert_element_type3A, %cond3A : i32
      scf.if %cond3A_23 {
        %mul3A_24 = arith.constant 128 : i32
        %mul3A_25 = arith.muli %scan3A_22, %mul3A_24 : i32
        %add3A_26 = arith.addi %add3A_7, %mul3A_25 : i32
        %multiple_of3A = tpu.assume_multiple %add3A_26, 128 : i32
        "tpu.region"() ({
          %run_scoped3A = tpu.sem_alloc : memref<!tpu.dma_semaphore, #tpu.memory_space<semaphore_mem>>
          %dma_start3A_31 = tpu.memref_slice %arg3[%multiple_of3A] : memref<323584xi32, #tpu.memory_space<hbm>> -> memref<128xi32, #tpu.memory_space<hbm>>
          %dma_start3A_32 = tpu.memref_slice %arg3[%multiple_of3A] : memref<323584xi32, #tpu.memory_space<hbm>> -> memref<128xi32, #tpu.memory_space<hbm>>
          tpu.enqueue_dma source(%dma_start3A_32 : memref<128xi32, #tpu.memory_space<hbm>>) target(%arg7 : memref<128xi32, #tpu.memory_space<vmem>>) target_semaphore(%run_scoped3A : memref<!tpu.dma_semaphore, #tpu.memory_space<semaphore_mem>>)
          %dma_wait3A_33 = tpu.memref_slice %arg3[%multiple_of3A] : memref<323584xi32, #tpu.memory_space<hbm>> -> memref<128xi32, #tpu.memory_space<hbm>>
          %dma_wait3A_34 = tpu.memref_slice %arg3[%multiple_of3A] : memref<323584xi32, #tpu.memory_space<hbm>> -> memref<128xi32, #tpu.memory_space<hbm>>
          tpu.wait_dma2 semaphore(%run_scoped3A : memref<!tpu.dma_semaphore, #tpu.memory_space<semaphore_mem>>) src(%dma_wait3A_34 : memref<128xi32, #tpu.memory_space<hbm>>) dst(%arg7 : memref<128xi32, #tpu.memory_space<vmem>>)
          tpu.yield
        }) : () -> ()
        "tpu.region"() ({
          %run_scoped3A = tpu.sem_alloc : memref<!tpu.dma_semaphore, #tpu.memory_space<semaphore_mem>>
          %dma_start3A_31 = tpu.memref_slice %arg4[%multiple_of3A] : memref<323584xi32, #tpu.memory_space<hbm>> -> memref<128xi32, #tpu.memory_space<hbm>>
          %dma_start3A_32 = tpu.memref_slice %arg4[%multiple_of3A] : memref<323584xi32, #tpu.memory_space<hbm>> -> memref<128xi32, #tpu.memory_space<hbm>>
          tpu.enqueue_dma source(%dma_start3A_32 : memref<128xi32, #tpu.memory_space<hbm>>) target(%arg8 : memref<128xi32, #tpu.memory_space<vmem>>) target_semaphore(%run_scoped3A : memref<!tpu.dma_semaphore, #tpu.memory_space<semaphore_mem>>)
          %dma_wait3A_33 = tpu.memref_slice %arg4[%multiple_of3A] : memref<323584xi32, #tpu.memory_space<hbm>> -> memref<128xi32, #tpu.memory_space<hbm>>
          %dma_wait3A_34 = tpu.memref_slice %arg4[%multiple_of3A] : memref<323584xi32, #tpu.memory_space<hbm>> -> memref<128xi32, #tpu.memory_space<hbm>>
          tpu.wait_dma2 semaphore(%run_scoped3A : memref<!tpu.dma_semaphore, #tpu.memory_space<semaphore_mem>>) src(%dma_wait3A_34 : memref<128xi32, #tpu.memory_space<hbm>>) dst(%arg8 : memref<128xi32, #tpu.memory_space<vmem>>)
          tpu.yield
        }) : () -> ()
        %dma_start3A = arith.constant 0 : i32
        %dma_start3A_27 = arith.constant 0 : i32
        %dma_start3A_28 = tpu.memref_slice %arg2[%dma_start3A, %dma_start3A_27] : memref<10240x128xf32, #tpu.memory_space<hbm>> -> memref<10240x128xf32, #tpu.memory_space<hbm>>
        tpu.enqueue_indirect_dma source(%dma_start3A_28 : memref<10240x128xf32, #tpu.memory_space<hbm>>) target(%arg9 : memref<128x128xf32, #tpu.memory_space<vmem>>) offsets(%arg7 : memref<128xi32, #tpu.memory_space<vmem>>) semaphore(%arg11 : memref<!tpu.dma_semaphore, #tpu.memory_space<semaphore_mem>>)
        %dma_wait3A = arith.constant 0 : i32
        %dma_wait3A_29 = arith.constant 0 : i32
        %dma_wait3A_30 = tpu.memref_slice %arg2[%dma_wait3A, %dma_wait3A_29] : memref<10240x128xf32, #tpu.memory_space<hbm>> -> memref<10240x128xf32, #tpu.memory_space<hbm>>
        tpu.wait_indirect_dma semaphore(%arg11 : memref<!tpu.dma_semaphore, #tpu.memory_space<semaphore_mem>>) src(%dma_wait3A_30 : memref<10240x128xf32, #tpu.memory_space<hbm>>) dst(%arg9 : memref<128x128xf32, #tpu.memory_space<vmem>>)
        "tpu.region"() ({
          %run_scoped3A = tpu.sem_alloc : memref<!tpu.dma_semaphore, #tpu.memory_space<semaphore_mem>>
          %dma_start3A_31 = arith.constant 0 : i32
          %dma_start3A_32 = arith.constant 0 : i32
          %dma_start3A_33 = tpu.memref_slice %arg10[%dma_start3A_31, %dma_start3A_32] : memref<10240x128xf32, #tpu.memory_space<vmem_shared>> -> memref<10240x128xf32, #tpu.memory_space<vmem_shared>>
          tpu.enqueue_indirect_dma source(%arg9 : memref<128x128xf32, #tpu.memory_space<vmem>>) target(%dma_start3A_33 : memref<10240x128xf32, #tpu.memory_space<vmem_shared>>) offsets(%arg8 : memref<128xi32, #tpu.memory_space<vmem>>) semaphore(%run_scoped3A : memref<!tpu.dma_semaphore, #tpu.memory_space<semaphore_mem>>) {add = true}
          %dma_wait3A_34 = arith.constant 0 : i32
          %dma_wait3A_35 = arith.constant 0 : i32
          %dma_wait3A_36 = tpu.memref_slice %arg10[%dma_wait3A_34, %dma_wait3A_35] : memref<10240x128xf32, #tpu.memory_space<vmem_shared>> -> memref<10240x128xf32, #tpu.memory_space<vmem_shared>>
          tpu.wait_indirect_dma semaphore(%run_scoped3A : memref<!tpu.dma_semaphore, #tpu.memory_space<semaphore_mem>>) src(%arg9 : memref<128x128xf32, #tpu.memory_space<vmem>>) dst(%dma_wait3A_36 : memref<10240x128xf32, #tpu.memory_space<vmem_shared>>)
          tpu.yield
        }) : () -> ()
      } else {
      }
    }
    %scan3A_16 = arith.constant 98 : i32
    %barrier3A_17 = arith.constant 0 : index
    tpu.barrier barrier_id(%barrier3A_17)
    %mul3A_18 = arith.constant 640 : i32
    %mul3A_19 = arith.muli %arg1, %mul3A_18 : i32
    %mul3A_20 = arith.constant 640 : i32
    %mul3A_21 = arith.muli %arg1, %mul3A_20 : i32
    "tpu.region"() ({
      %run_scoped3A = tpu.sem_alloc : memref<!tpu.dma_semaphore, #tpu.memory_space<semaphore_mem>>
      %dma_start3A = arith.constant 0 : i32
      %dma_start3A_22 = tpu.memref_slice %arg6[%arg0, %mul3A_21, %dma_start3A] : memref<2x10240x128xf32, #tpu.memory_space<hbm>> -> memref<1x640x128xf32, #tpu.memory_space<hbm>>
      %dma_start3A_23 = tpu.memref_squeeze %dma_start3A_22 : memref<1x640x128xf32, #tpu.memory_space<hbm>> -> memref<640x128xf32, #tpu.memory_space<hbm>>
      %dma_start3A_24 = arith.constant 0 : i32
      %dma_start3A_25 = tpu.memref_slice %arg10[%mul3A_19, %dma_start3A_24] : memref<10240x128xf32, #tpu.memory_space<vmem_shared>> -> memref<640x128xf32, #tpu.memory_space<vmem_shared>>
      tpu.enqueue_dma source(%dma_start3A_25 : memref<640x128xf32, #tpu.memory_space<vmem_shared>>) target(%dma_start3A_23 : memref<640x128xf32, #tpu.memory_space<hbm>>) target_semaphore(%run_scoped3A : memref<!tpu.dma_semaphore, #tpu.memory_space<semaphore_mem>>)
      %dma_wait3A = arith.constant 0 : i32
      %dma_wait3A_26 = tpu.memref_slice %arg6[%arg0, %mul3A_21, %dma_wait3A] : memref<2x10240x128xf32, #tpu.memory_space<hbm>> -> memref<1x640x128xf32, #tpu.memory_space<hbm>>
      %dma_wait3A_27 = tpu.memref_squeeze %dma_wait3A_26 : memref<1x640x128xf32, #tpu.memory_space<hbm>> -> memref<640x128xf32, #tpu.memory_space<hbm>>
      %dma_wait3A_28 = arith.constant 0 : i32
      %dma_wait3A_29 = tpu.memref_slice %arg10[%mul3A_19, %dma_wait3A_28] : memref<10240x128xf32, #tpu.memory_space<vmem_shared>> -> memref<640x128xf32, #tpu.memory_space<vmem_shared>>
      tpu.wait_dma2 semaphore(%run_scoped3A : memref<!tpu.dma_semaphore, #tpu.memory_space<semaphore_mem>>) src(%dma_wait3A_29 : memref<640x128xf32, #tpu.memory_space<vmem_shared>>) dst(%dma_wait3A_27 : memref<640x128xf32, #tpu.memory_space<hbm>>)
      tpu.yield
    }) : () -> ()
    return
  }
}

#map = affine_map<(d0, d1) -> (0)>
#map1 = affine_map<(d0, d1) -> (0, 0)>
#map2 = affine_map<(d0, d1) -> (0, 0, 0)>
module attributes {stable_mosaic.version = 14 : i64} {
  func.func @deg(%arg0: i32, %arg1: i32, %arg2: memref<323584xi32, #tpu.memory_space<hbm>>, %arg3: memref<640x128xf32, #tpu.memory_space<hbm>>, %arg4: memref<128x128xf32, #tpu.memory_space<hbm>>, %arg5: memref<2x10240x128xf32, #tpu.memory_space<hbm>>, %arg6: memref<128xi32, #tpu.memory_space<vmem>>, %arg7: memref<128x128xf32, #tpu.memory_space<vmem>>, %arg8: memref<10240x128xf32, #tpu.memory_space<vmem_shared>>) attributes {dimension_semantics = [#tpu.dimension_semantics<core_parallel>, #tpu.dimension_semantics<subcore_parallel>], iteration_bounds = array<i64: 2, 16>, scalar_prefetch = 0 : i64, scratch_operands = 3 : i64, tpu.core_type = #tpu.core_type<sc_vector_subcore>, window_params = [{transform_indices = #map}, {transform_indices = #map1}, {transform_indices = #map1}, {transform_indices = #map2}]} {
    %mul3A = arith.constant 2 : i32
    %mul3A_0 = arith.muli %arg1, %mul3A : i32
    %add3A = arith.addi %mul3A_0, %arg0 : i32
    %mul3A_1 = arith.constant 640 : i32
    %mul3A_2 = arith.muli %arg1, %mul3A_1 : i32
    "tpu.region"() ({
      %run_scoped3A = tpu.sem_alloc : memref<!tpu.dma_semaphore, #tpu.memory_space<semaphore_mem>>
      %dma_start3A = arith.constant 0 : i32
      %dma_start3A_15 = tpu.memref_slice %arg8[%mul3A_2, %dma_start3A] : memref<10240x128xf32, #tpu.memory_space<vmem_shared>> -> memref<640x128xf32, #tpu.memory_space<vmem_shared>>
      tpu.enqueue_dma source(%arg3 : memref<640x128xf32, #tpu.memory_space<hbm>>) target(%dma_start3A_15 : memref<640x128xf32, #tpu.memory_space<vmem_shared>>) target_semaphore(%run_scoped3A : memref<!tpu.dma_semaphore, #tpu.memory_space<semaphore_mem>>)
      %dma_wait3A = arith.constant 0 : i32
      %dma_wait3A_16 = tpu.memref_slice %arg8[%mul3A_2, %dma_wait3A] : memref<10240x128xf32, #tpu.memory_space<vmem_shared>> -> memref<640x128xf32, #tpu.memory_space<vmem_shared>>
      tpu.wait_dma2 semaphore(%run_scoped3A : memref<!tpu.dma_semaphore, #tpu.memory_space<semaphore_mem>>) src(%arg3 : memref<640x128xf32, #tpu.memory_space<hbm>>) dst(%dma_wait3A_16 : memref<640x128xf32, #tpu.memory_space<vmem_shared>>)
      tpu.yield
    }) : () -> ()
    "tpu.region"() ({
      %run_scoped3A = tpu.sem_alloc : memref<!tpu.dma_semaphore, #tpu.memory_space<semaphore_mem>>
      tpu.enqueue_dma source(%arg4 : memref<128x128xf32, #tpu.memory_space<hbm>>) target(%arg7 : memref<128x128xf32, #tpu.memory_space<vmem>>) target_semaphore(%run_scoped3A : memref<!tpu.dma_semaphore, #tpu.memory_space<semaphore_mem>>)
      tpu.wait_dma2 semaphore(%run_scoped3A : memref<!tpu.dma_semaphore, #tpu.memory_space<semaphore_mem>>) src(%arg4 : memref<128x128xf32, #tpu.memory_space<hbm>>) dst(%arg7 : memref<128x128xf32, #tpu.memory_space<vmem>>)
      tpu.yield
    }) : () -> ()
    %barrier3A = arith.constant 0 : index
    tpu.barrier barrier_id(%barrier3A)
    %mul3A_3 = arith.constant 10112 : i32
    %mul3A_4 = arith.muli %add3A, %mul3A_3 : i32
    %scan3A = arith.constant 0 : i32
    %scan3A_5 = arith.constant 0 : i32
    %scan3A_6 = arith.constant 79 : i32
    %scan3A_7 = arith.addi %scan3A_5, %scan3A_6 : i32
    %scan3A_8 = arith.constant 1 : i32
    scf.for %scan3A_15 = %scan3A_5 to %scan3A_7 step %scan3A_8  : i32 {
      %mul3A_16 = arith.constant 128 : i32
      %mul3A_17 = arith.muli %scan3A_15, %mul3A_16 : i32
      %add3A_18 = arith.addi %mul3A_4, %mul3A_17 : i32
      %multiple_of3A = tpu.assume_multiple %add3A_18, 128 : i32
      "tpu.region"() ({
        %run_scoped3A = tpu.sem_alloc : memref<!tpu.dma_semaphore, #tpu.memory_space<semaphore_mem>>
        %dma_start3A = tpu.memref_slice %arg2[%multiple_of3A] : memref<323584xi32, #tpu.memory_space<hbm>> -> memref<128xi32, #tpu.memory_space<hbm>>
        %dma_start3A_19 = tpu.memref_slice %arg2[%multiple_of3A] : memref<323584xi32, #tpu.memory_space<hbm>> -> memref<128xi32, #tpu.memory_space<hbm>>
        tpu.enqueue_dma source(%dma_start3A_19 : memref<128xi32, #tpu.memory_space<hbm>>) target(%arg6 : memref<128xi32, #tpu.memory_space<vmem>>) target_semaphore(%run_scoped3A : memref<!tpu.dma_semaphore, #tpu.memory_space<semaphore_mem>>)
        %dma_wait3A = tpu.memref_slice %arg2[%multiple_of3A] : memref<323584xi32, #tpu.memory_space<hbm>> -> memref<128xi32, #tpu.memory_space<hbm>>
        %dma_wait3A_20 = tpu.memref_slice %arg2[%multiple_of3A] : memref<323584xi32, #tpu.memory_space<hbm>> -> memref<128xi32, #tpu.memory_space<hbm>>
        tpu.wait_dma2 semaphore(%run_scoped3A : memref<!tpu.dma_semaphore, #tpu.memory_space<semaphore_mem>>) src(%dma_wait3A_20 : memref<128xi32, #tpu.memory_space<hbm>>) dst(%arg6 : memref<128xi32, #tpu.memory_space<vmem>>)
        tpu.yield
      }) : () -> ()
      "tpu.region"() ({
        %run_scoped3A = tpu.sem_alloc : memref<!tpu.dma_semaphore, #tpu.memory_space<semaphore_mem>>
        %dma_start3A = arith.constant 0 : i32
        %dma_start3A_19 = arith.constant 0 : i32
        %dma_start3A_20 = tpu.memref_slice %arg8[%dma_start3A, %dma_start3A_19] : memref<10240x128xf32, #tpu.memory_space<vmem_shared>> -> memref<10240x128xf32, #tpu.memory_space<vmem_shared>>
        tpu.enqueue_indirect_dma source(%arg7 : memref<128x128xf32, #tpu.memory_space<vmem>>) target(%dma_start3A_20 : memref<10240x128xf32, #tpu.memory_space<vmem_shared>>) offsets(%arg6 : memref<128xi32, #tpu.memory_space<vmem>>) semaphore(%run_scoped3A : memref<!tpu.dma_semaphore, #tpu.memory_space<semaphore_mem>>) {add = true}
        %dma_wait3A = arith.constant 0 : i32
        %dma_wait3A_21 = arith.constant 0 : i32
        %dma_wait3A_22 = tpu.memref_slice %arg8[%dma_wait3A, %dma_wait3A_21] : memref<10240x128xf32, #tpu.memory_space<vmem_shared>> -> memref<10240x128xf32, #tpu.memory_space<vmem_shared>>
        tpu.wait_indirect_dma semaphore(%run_scoped3A : memref<!tpu.dma_semaphore, #tpu.memory_space<semaphore_mem>>) src(%arg7 : memref<128x128xf32, #tpu.memory_space<vmem>>) dst(%dma_wait3A_22 : memref<10240x128xf32, #tpu.memory_space<vmem_shared>>)
        tpu.yield
      }) : () -> ()
    }
    %scan3A_9 = arith.constant 79 : i32
    %barrier3A_10 = arith.constant 0 : index
    tpu.barrier barrier_id(%barrier3A_10)
    %mul3A_11 = arith.constant 640 : i32
    %mul3A_12 = arith.muli %arg1, %mul3A_11 : i32
    %mul3A_13 = arith.constant 640 : i32
    %mul3A_14 = arith.muli %arg1, %mul3A_13 : i32
    "tpu.region"() ({
      %run_scoped3A = tpu.sem_alloc : memref<!tpu.dma_semaphore, #tpu.memory_space<semaphore_mem>>
      %dma_start3A = arith.constant 0 : i32
      %dma_start3A_15 = tpu.memref_slice %arg5[%arg0, %mul3A_14, %dma_start3A] : memref<2x10240x128xf32, #tpu.memory_space<hbm>> -> memref<1x640x128xf32, #tpu.memory_space<hbm>>
      %dma_start3A_16 = tpu.memref_squeeze %dma_start3A_15 : memref<1x640x128xf32, #tpu.memory_space<hbm>> -> memref<640x128xf32, #tpu.memory_space<hbm>>
      %dma_start3A_17 = arith.constant 0 : i32
      %dma_start3A_18 = tpu.memref_slice %arg8[%mul3A_12, %dma_start3A_17] : memref<10240x128xf32, #tpu.memory_space<vmem_shared>> -> memref<640x128xf32, #tpu.memory_space<vmem_shared>>
      tpu.enqueue_dma source(%dma_start3A_18 : memref<640x128xf32, #tpu.memory_space<vmem_shared>>) target(%dma_start3A_16 : memref<640x128xf32, #tpu.memory_space<hbm>>) target_semaphore(%run_scoped3A : memref<!tpu.dma_semaphore, #tpu.memory_space<semaphore_mem>>)
      %dma_wait3A = arith.constant 0 : i32
      %dma_wait3A_19 = tpu.memref_slice %arg5[%arg0, %mul3A_14, %dma_wait3A] : memref<2x10240x128xf32, #tpu.memory_space<hbm>> -> memref<1x640x128xf32, #tpu.memory_space<hbm>>
      %dma_wait3A_20 = tpu.memref_squeeze %dma_wait3A_19 : memref<1x640x128xf32, #tpu.memory_space<hbm>> -> memref<640x128xf32, #tpu.memory_space<hbm>>
      %dma_wait3A_21 = arith.constant 0 : i32
      %dma_wait3A_22 = tpu.memref_slice %arg8[%mul3A_12, %dma_wait3A_21] : memref<10240x128xf32, #tpu.memory_space<vmem_shared>> -> memref<640x128xf32, #tpu.memory_space<vmem_shared>>
      tpu.wait_dma2 semaphore(%run_scoped3A : memref<!tpu.dma_semaphore, #tpu.memory_space<semaphore_mem>>) src(%dma_wait3A_22 : memref<640x128xf32, #tpu.memory_space<vmem_shared>>) dst(%dma_wait3A_20 : memref<640x128xf32, #tpu.memory_space<hbm>>)
      tpu.yield
    }) : () -> ()
    return
  }
}

module attributes {stable_mosaic.version = 14 : i64} {
  func.func @_sage_mm_body(%arg0: i32, %arg1: memref<256x128xf32, #tpu.memory_space<vmem>>, %arg2: memref<1x256x128xf32, #tpu.memory_space<vmem>>, %arg3: memref<1x256x128xf32, #tpu.memory_space<vmem>>, %arg4: memref<1x256x128xf32, #tpu.memory_space<vmem>>, %arg5: memref<1x256x128xf32, #tpu.memory_space<vmem>>, %arg6: memref<128x128xf32, #tpu.memory_space<vmem>>, %arg7: memref<128x128xf32, #tpu.memory_space<vmem>>, %arg8: memref<1x128xf32, #tpu.memory_space<vmem>>, %arg9: memref<256x128xf32, #tpu.memory_space<vmem>>) attributes {dimension_semantics = [#tpu.dimension_semantics<arbitrary>], iteration_bounds = array<i64: 40>, scalar_prefetch = 0 : i64, scratch_operands = 0 : i64, tpu.core_type = #tpu.core_type<tc>, window_params = [{transform_indices = @transform_0, window_bounds = array<i64: 256, 128>}, {transform_indices = @transform_1, window_bounds = array<i64: 1, 256, 128>}, {transform_indices = @transform_2, window_bounds = array<i64: 1, 256, 128>}, {transform_indices = @transform_3, window_bounds = array<i64: 1, 256, 128>}, {transform_indices = @transform_4, window_bounds = array<i64: 1, 256, 128>}, {pipeline_mode = #tpu.pipeline_mode<synchronous>, transform_indices = @transform_5, window_bounds = array<i64: 128, 128>}, {pipeline_mode = #tpu.pipeline_mode<synchronous>, transform_indices = @transform_6, window_bounds = array<i64: 128, 128>}, {pipeline_mode = #tpu.pipeline_mode<synchronous>, transform_indices = @transform_7, window_bounds = array<i64: 1, 128>}, {transform_indices = @transform_8, window_bounds = array<i64: 256, 128>}]} {
    %get3A = arith.constant 0 : index
    %get3A_0 = arith.constant 0 : index
    %get3A_1 = arith.constant 0 : index
    %get3A_2 = vector.load %arg4[%get3A, %get3A_0, %get3A_1] : memref<1x256x128xf32, #tpu.memory_space<vmem>>, vector<1x256x1xf32>
    %get3A_3 = vector.shape_cast %get3A_2 : vector<1x256x1xf32> to vector<256x1xf32>
    %get3A_4 = arith.constant 0 : index
    %get3A_5 = arith.constant 0 : index
    %get3A_6 = arith.constant 0 : index
    %get3A_7 = vector.load %arg5[%get3A_4, %get3A_5, %get3A_6] : memref<1x256x128xf32, #tpu.memory_space<vmem>>, vector<1x256x1xf32>
    %get3A_8 = vector.shape_cast %get3A_7 : vector<1x256x1xf32> to vector<256x1xf32>
    %add3A = arith.addf %get3A_3, %get3A_8 : vector<256x1xf32>
    %max3A = arith.constant 1.000000e+00 : f32
    %max3A_9 = vector.broadcast %max3A : f32 to vector<256x1xf32>
    %max3A_10 = arith.maximumf %add3A, %max3A_9 : vector<256x1xf32>
    %div3A = arith.constant 1.000000e+00 : f32
    %div3A_11 = vector.broadcast %div3A : f32 to vector<256x1xf32>
    %div3A_12 = arith.divf %div3A_11, %max3A_10 : vector<256x1xf32>
    %get3A_13 = arith.constant 0 : index
    %get3A_14 = arith.constant 0 : index
    %get3A_15 = arith.constant 0 : index
    %get3A_16 = vector.load %arg2[%get3A_13, %get3A_14, %get3A_15] : memref<1x256x128xf32, #tpu.memory_space<vmem>>, vector<1x256x128xf32>
    %get3A_17 = vector.shape_cast %get3A_16 : vector<1x256x128xf32> to vector<256x128xf32>
    %get3A_18 = arith.constant 0 : index
    %get3A_19 = arith.constant 0 : index
    %get3A_20 = arith.constant 0 : index
    %get3A_21 = vector.load %arg3[%get3A_18, %get3A_19, %get3A_20] : memref<1x256x128xf32, #tpu.memory_space<vmem>>, vector<1x256x128xf32>
    %get3A_22 = vector.shape_cast %get3A_21 : vector<1x256x128xf32> to vector<256x128xf32>
    %add3A_23 = arith.addf %get3A_17, %get3A_22 : vector<256x128xf32>
    %mul3A = vector.broadcast %div3A_12 : vector<256x1xf32> to vector<256x128xf32>
    %mul3A_24 = arith.mulf %add3A_23, %mul3A : vector<256x128xf32>
    %get3A_25 = arith.constant 0 : index
    %get3A_26 = arith.constant 0 : index
    %get3A_27 = vector.load %arg1[%get3A_25, %get3A_26] : memref<256x128xf32, #tpu.memory_space<vmem>>, vector<256x128xf32>
    %get3A_28 = arith.constant 0 : index
    %get3A_29 = arith.constant 0 : index
    %get3A_30 = vector.load %arg6[%get3A_28, %get3A_29] : memref<128x128xf32, #tpu.memory_space<vmem>>, vector<128x128xf32>
    %dot_general3A = arith.constant dense<0.000000e+00> : vector<256x128xf32>
    %dot_general3A_31 = tpu.matmul %get3A_27, %get3A_30, %dot_general3A {dimension_numbers = #tpu.dot_dimension_numbers<[1], [0], [0], [1], [0, 0, 1, 1], [], []>, transpose_lhs_hint = false} : vector<256x128xf32>, vector<128x128xf32>, vector<256x128xf32> -> vector<256x128xf32>
    %get3A_32 = arith.constant 0 : index
    %get3A_33 = arith.constant 0 : index
    %get3A_34 = vector.load %arg7[%get3A_32, %get3A_33] : memref<128x128xf32, #tpu.memory_space<vmem>>, vector<128x128xf32>
    %dot_general3A_35 = arith.constant dense<0.000000e+00> : vector<256x128xf32>
    %dot_general3A_36 = tpu.matmul %mul3A_24, %get3A_34, %dot_general3A_35 {dimension_numbers = #tpu.dot_dimension_numbers<[1], [0], [0], [1], [0, 0, 1, 1], [], []>, transpose_lhs_hint = false} : vector<256x128xf32>, vector<128x128xf32>, vector<256x128xf32> -> vector<256x128xf32>
    %add3A_37 = arith.addf %dot_general3A_31, %dot_general3A_36 : vector<256x128xf32>
    %get3A_38 = arith.constant 0 : index
    %get3A_39 = arith.constant 0 : index
    %get3A_40 = vector.load %arg8[%get3A_38, %get3A_39] : memref<1x128xf32, #tpu.memory_space<vmem>>, vector<1x128xf32>
    %add3A_41 = vector.broadcast %get3A_40 : vector<1x128xf32> to vector<256x128xf32>
    %add3A_42 = arith.addf %add3A_37, %add3A_41 : vector<256x128xf32>
    %max3A_43 = arith.constant 0.000000e+00 : f32
    %max3A_44 = vector.broadcast %max3A_43 : f32 to vector<256x128xf32>
    %max3A_45 = arith.maximumf %add3A_42, %max3A_44 : vector<256x128xf32>
    %swap3A = arith.constant 0 : index
    %swap3A_46 = arith.constant 0 : index
    %swap3A_47 = vector.load %arg9[%swap3A, %swap3A_46] : memref<256x128xf32, #tpu.memory_space<vmem>>, vector<256x128xf32>
    tpu.vector_store %arg9[%swap3A, %swap3A_46], %max3A_45 {strides = array<i32>} : memref<256x128xf32, #tpu.memory_space<vmem>>, vector<256x128xf32>,
    return
  }
  func.func @transform_0(%arg0: i32) -> (i32, i32) {
    %c0_i32 = arith.constant 0 : i32
    %c0_i32_0 = arith.constant 0 : i32
    return %arg0, %c0_i32 : i32, i32
  }
  func.func @transform_1(%arg0: i32) -> (i32, i32, i32) {
    %c0_i32 = arith.constant 0 : i32
    %c0_i32_0 = arith.constant 0 : i32
    %c0_i32_1 = arith.constant 0 : i32
    return %c0_i32, %arg0, %c0_i32_0 : i32, i32, i32
  }
  func.func @transform_2(%arg0: i32) -> (i32, i32, i32) {
    %c1_i32 = arith.constant 1 : i32
    %c0_i32 = arith.constant 0 : i32
    %c0_i32_0 = arith.constant 0 : i32
    return %c1_i32, %arg0, %c0_i32 : i32, i32, i32
  }
  func.func @transform_3(%arg0: i32) -> (i32, i32, i32) {
    %c0_i32 = arith.constant 0 : i32
    %c0_i32_0 = arith.constant 0 : i32
    %c0_i32_1 = arith.constant 0 : i32
    return %c0_i32, %arg0, %c0_i32_0 : i32, i32, i32
  }
  func.func @transform_4(%arg0: i32) -> (i32, i32, i32) {
    %c1_i32 = arith.constant 1 : i32
    %c0_i32 = arith.constant 0 : i32
    %c0_i32_0 = arith.constant 0 : i32
    return %c1_i32, %arg0, %c0_i32 : i32, i32, i32
  }
  func.func @transform_5(%arg0: i32) -> (i32, i32) {
    %c0_i32 = arith.constant 0 : i32
    %c0_i32_0 = arith.constant 0 : i32
    %c0_i32_1 = arith.constant 0 : i32
    return %c0_i32, %c0_i32_0 : i32, i32
  }
  func.func @transform_6(%arg0: i32) -> (i32, i32) {
    %c0_i32 = arith.constant 0 : i32
    %c0_i32_0 = arith.constant 0 : i32
    %c0_i32_1 = arith.constant 0 : i32
    return %c0_i32, %c0_i32_0 : i32, i32
  }
  func.func @transform_7(%arg0: i32) -> (i32, i32) {
    %c0_i32 = arith.constant 0 : i32
    %c0_i32_0 = arith.constant 0 : i32
    %c0_i32_1 = arith.constant 0 : i32
    return %c0_i32, %c0_i32_0 : i32, i32
  }
  func.func @transform_8(%arg0: i32) -> (i32, i32) {
    %c0_i32 = arith.constant 0 : i32
    %c0_i32_0 = arith.constant 0 : i32
    return %arg0, %c0_i32 : i32, i32
  }
}

module attributes {stable_mosaic.version = 14 : i64} {
  func.func @_sage_mm_body(%arg0: i32, %arg1: memref<256x128xf32, #tpu.memory_space<vmem>>, %arg2: memref<1x256x128xf32, #tpu.memory_space<vmem>>, %arg3: memref<1x256x128xf32, #tpu.memory_space<vmem>>, %arg4: memref<1x256x128xf32, #tpu.memory_space<vmem>>, %arg5: memref<1x256x128xf32, #tpu.memory_space<vmem>>, %arg6: memref<128x64xf32, #tpu.memory_space<vmem>>, %arg7: memref<128x64xf32, #tpu.memory_space<vmem>>, %arg8: memref<1x64xf32, #tpu.memory_space<vmem>>, %arg9: memref<256x64xf32, #tpu.memory_space<vmem>>) attributes {dimension_semantics = [#tpu.dimension_semantics<arbitrary>], iteration_bounds = array<i64: 40>, scalar_prefetch = 0 : i64, scratch_operands = 0 : i64, tpu.core_type = #tpu.core_type<tc>, window_params = [{transform_indices = @transform_0, window_bounds = array<i64: 256, 128>}, {transform_indices = @transform_1, window_bounds = array<i64: 1, 256, 128>}, {transform_indices = @transform_2, window_bounds = array<i64: 1, 256, 128>}, {transform_indices = @transform_3, window_bounds = array<i64: 1, 256, 128>}, {transform_indices = @transform_4, window_bounds = array<i64: 1, 256, 128>}, {pipeline_mode = #tpu.pipeline_mode<synchronous>, transform_indices = @transform_5, window_bounds = array<i64: 128, 64>}, {pipeline_mode = #tpu.pipeline_mode<synchronous>, transform_indices = @transform_6, window_bounds = array<i64: 128, 64>}, {pipeline_mode = #tpu.pipeline_mode<synchronous>, transform_indices = @transform_7, window_bounds = array<i64: 1, 64>}, {transform_indices = @transform_8, window_bounds = array<i64: 256, 64>}]} {
    %get3A = arith.constant 0 : index
    %get3A_0 = arith.constant 0 : index
    %get3A_1 = arith.constant 0 : index
    %get3A_2 = vector.load %arg4[%get3A, %get3A_0, %get3A_1] : memref<1x256x128xf32, #tpu.memory_space<vmem>>, vector<1x256x1xf32>
    %get3A_3 = vector.shape_cast %get3A_2 : vector<1x256x1xf32> to vector<256x1xf32>
    %get3A_4 = arith.constant 0 : index
    %get3A_5 = arith.constant 0 : index
    %get3A_6 = arith.constant 0 : index
    %get3A_7 = vector.load %arg5[%get3A_4, %get3A_5, %get3A_6] : memref<1x256x128xf32, #tpu.memory_space<vmem>>, vector<1x256x1xf32>
    %get3A_8 = vector.shape_cast %get3A_7 : vector<1x256x1xf32> to vector<256x1xf32>
    %add3A = arith.addf %get3A_3, %get3A_8 : vector<256x1xf32>
    %max3A = arith.constant 1.000000e+00 : f32
    %max3A_9 = vector.broadcast %max3A : f32 to vector<256x1xf32>
    %max3A_10 = arith.maximumf %add3A, %max3A_9 : vector<256x1xf32>
    %div3A = arith.constant 1.000000e+00 : f32
    %div3A_11 = vector.broadcast %div3A : f32 to vector<256x1xf32>
    %div3A_12 = arith.divf %div3A_11, %max3A_10 : vector<256x1xf32>
    %get3A_13 = arith.constant 0 : index
    %get3A_14 = arith.constant 0 : index
    %get3A_15 = arith.constant 0 : index
    %get3A_16 = vector.load %arg2[%get3A_13, %get3A_14, %get3A_15] : memref<1x256x128xf32, #tpu.memory_space<vmem>>, vector<1x256x128xf32>
    %get3A_17 = vector.shape_cast %get3A_16 : vector<1x256x128xf32> to vector<256x128xf32>
    %get3A_18 = arith.constant 0 : index
    %get3A_19 = arith.constant 0 : index
    %get3A_20 = arith.constant 0 : index
    %get3A_21 = vector.load %arg3[%get3A_18, %get3A_19, %get3A_20] : memref<1x256x128xf32, #tpu.memory_space<vmem>>, vector<1x256x128xf32>
    %get3A_22 = vector.shape_cast %get3A_21 : vector<1x256x128xf32> to vector<256x128xf32>
    %add3A_23 = arith.addf %get3A_17, %get3A_22 : vector<256x128xf32>
    %mul3A = vector.broadcast %div3A_12 : vector<256x1xf32> to vector<256x128xf32>
    %mul3A_24 = arith.mulf %add3A_23, %mul3A : vector<256x128xf32>
    %get3A_25 = arith.constant 0 : index
    %get3A_26 = arith.constant 0 : index
    %get3A_27 = vector.load %arg1[%get3A_25, %get3A_26] : memref<256x128xf32, #tpu.memory_space<vmem>>, vector<256x128xf32>
    %get3A_28 = arith.constant 0 : index
    %get3A_29 = arith.constant 0 : index
    %get3A_30 = vector.load %arg6[%get3A_28, %get3A_29] : memref<128x64xf32, #tpu.memory_space<vmem>>, vector<128x64xf32>
    %dot_general3A = arith.constant dense<0.000000e+00> : vector<256x64xf32>
    %dot_general3A_31 = tpu.matmul %get3A_27, %get3A_30, %dot_general3A {dimension_numbers = #tpu.dot_dimension_numbers<[1], [0], [0], [1], [0, 0, 1, 1], [], []>, transpose_lhs_hint = false} : vector<256x128xf32>, vector<128x64xf32>, vector<256x64xf32> -> vector<256x64xf32>
    %get3A_32 = arith.constant 0 : index
    %get3A_33 = arith.constant 0 : index
    %get3A_34 = vector.load %arg7[%get3A_32, %get3A_33] : memref<128x64xf32, #tpu.memory_space<vmem>>, vector<128x64xf32>
    %dot_general3A_35 = arith.constant dense<0.000000e+00> : vector<256x64xf32>
    %dot_general3A_36 = tpu.matmul %mul3A_24, %get3A_34, %dot_general3A_35 {dimension_numbers = #tpu.dot_dimension_numbers<[1], [0], [0], [1], [0, 0, 1, 1], [], []>, transpose_lhs_hint = false} : vector<256x128xf32>, vector<128x64xf32>, vector<256x64xf32> -> vector<256x64xf32>
    %add3A_37 = arith.addf %dot_general3A_31, %dot_general3A_36 : vector<256x64xf32>
    %get3A_38 = arith.constant 0 : index
    %get3A_39 = arith.constant 0 : index
    %get3A_40 = vector.load %arg8[%get3A_38, %get3A_39] : memref<1x64xf32, #tpu.memory_space<vmem>>, vector<1x64xf32>
    %add3A_41 = vector.broadcast %get3A_40 : vector<1x64xf32> to vector<256x64xf32>
    %add3A_42 = arith.addf %add3A_37, %add3A_41 : vector<256x64xf32>
    %swap3A = arith.constant 0 : index
    %swap3A_43 = arith.constant 0 : index
    %swap3A_44 = vector.load %arg9[%swap3A, %swap3A_43] : memref<256x64xf32, #tpu.memory_space<vmem>>, vector<256x64xf32>
    tpu.vector_store %arg9[%swap3A, %swap3A_43], %add3A_42 {strides = array<i32>} : memref<256x64xf32, #tpu.memory_space<vmem>>, vector<256x64xf32>,
    return
  }
  func.func @transform_0(%arg0: i32) -> (i32, i32) {
    %c0_i32 = arith.constant 0 : i32
    %c0_i32_0 = arith.constant 0 : i32
    return %arg0, %c0_i32 : i32, i32
  }
  func.func @transform_1(%arg0: i32) -> (i32, i32, i32) {
    %c0_i32 = arith.constant 0 : i32
    %c0_i32_0 = arith.constant 0 : i32
    %c0_i32_1 = arith.constant 0 : i32
    return %c0_i32, %arg0, %c0_i32_0 : i32, i32, i32
  }
  func.func @transform_2(%arg0: i32) -> (i32, i32, i32) {
    %c1_i32 = arith.constant 1 : i32
    %c0_i32 = arith.constant 0 : i32
    %c0_i32_0 = arith.constant 0 : i32
    return %c1_i32, %arg0, %c0_i32 : i32, i32, i32
  }
  func.func @transform_3(%arg0: i32) -> (i32, i32, i32) {
    %c0_i32 = arith.constant 0 : i32
    %c0_i32_0 = arith.constant 0 : i32
    %c0_i32_1 = arith.constant 0 : i32
    return %c0_i32, %arg0, %c0_i32_0 : i32, i32, i32
  }
  func.func @transform_4(%arg0: i32) -> (i32, i32, i32) {
    %c1_i32 = arith.constant 1 : i32
    %c0_i32 = arith.constant 0 : i32
    %c0_i32_0 = arith.constant 0 : i32
    return %c1_i32, %arg0, %c0_i32 : i32, i32, i32
  }
  func.func @transform_5(%arg0: i32) -> (i32, i32) {
    %c0_i32 = arith.constant 0 : i32
    %c0_i32_0 = arith.constant 0 : i32
    %c0_i32_1 = arith.constant 0 : i32
    return %c0_i32, %c0_i32_0 : i32, i32
  }
  func.func @transform_6(%arg0: i32) -> (i32, i32) {
    %c0_i32 = arith.constant 0 : i32
    %c0_i32_0 = arith.constant 0 : i32
    %c0_i32_1 = arith.constant 0 : i32
    return %c0_i32, %c0_i32_0 : i32, i32
  }
  func.func @transform_7(%arg0: i32) -> (i32, i32) {
    %c0_i32 = arith.constant 0 : i32
    %c0_i32_0 = arith.constant 0 : i32
    %c0_i32_1 = arith.constant 0 : i32
    return %c0_i32, %c0_i32_0 : i32, i32
  }
  func.func @transform_8(%arg0: i32) -> (i32, i32) {
    %c0_i32 = arith.constant 0 : i32
    %c0_i32_0 = arith.constant 0 : i32
    return %arg0, %c0_i32 : i32, i32
  }
}

</mosaic_0001>

<sc_bundles>
// kernel: kernel.12.cloned.1.call-start
scs
__scs_entry_jumppad:
0x0: {  	(pc) =	sbr.rel $0x88, $3  }
0x1: {  	(tag) =	ssettag $0x0;
	lr =	simm.s32 $0x1  }
0x2: {  	[smem:$0x3F96] =	sst lr;
	_ =	strace $0xD0000000  }
0x3: {  	_ = 	snop  }
0x4: {  	_ = 	snop  }
0x5: {  	_ = 	snop  }
0x6: {  	_ = 	snop  }
0x7: {  	_ = 	snop  }
__scs_overlays_trampoline_lowered:
0x8: {  	[smem:$0x3FA5] =	sst s0  }
0x9: {  	[smem:$0x3FA6] =	sst s1  }
0xa: {  	[smem:$0x3FA7] =	sst s2  }
0xb: {  	[smem:$0x3FA8] =	sst s3  }
0xc: {  	[smem:$0x3FA9] =	sst s4  }
0xd: {  	[smem:$0x3FAA] =	sst s5  }
0xe: {  	[smem:$0x3FAB] =	sst s6  }
0xf: {  	[smem:$0x3FAC] =	sst s7  }
0x10: {  	[smem:$0x3FAD] =	sst s8  }
0x11: {  	[smem:$0x3FAE] =	sst s9;
	s0 =	simm.s32 @!p0 $0x0  }
0x12: {  	s1 =	sld [smem:$0x3F94];
	s0 =	simm.s32 @p0 $0x1  }
0x13: {  	[smem:$0x3FAF] =	sst s0;
	s0 =	simm.s32 @!p1 $0x0  }
0x14: {  	s2 =	sld [smem:$0x3F93];
	s0 =	simm.s32 @p1 $0x1  }
0x15: {  	[smem:$0x3FB0] =	sst s0;
	s0 =	simm.s32 @!p2 $0x0  }
0x16: {  	s3 =	sld [smem:$0x3FDB];
	s0 =	simm.s32 @p2 $0x1  }
0x17: {  	s4 =	simm.s32 $0x1BF5;
	[smem:$0x3FB2] =	sst s0  }
0x18: {  	s0 =	sld [smem:$0x3F95];
	_ =	swait.ge [sflag:s4], $0x0  }
0x19: {  	s7 =	sld [smem:$0x3F96]  }
0x1a: {  	s8 =	sadd.s32 $0xFFFFE003, lr  }
0x1b: {  	s9 =	sadd.s32 $0xFFFFFEF7, lr;
	s5 =	simm.s32 $0xFFFFFFFF;
	p2 =	slt.u32 s8, $0xFFFFF086  }
0x1c: {  	p1 =	slt.u32 s9, $0xF7A;
	s5 =	simm.s32 @!p2 $0x0  }
0x1d: {  	s5 =	simm.s32 @p1 $0x1;
	p0 =	seq.s32 s7, s2  }
0x1e: {  	s7 =	smul.u32 @!p0 $0xF7A, s2;
	p2 =	seq.s32 @!p0 s5, $0x0  }
0x1f: {  	s9 =	smul.u32 $0xF7A, s1;
	s8 =	simm.s32 @!p0 $0x1BF5;
	p2 =	por !p2, p0  }
0x20: {  	[sflag:s8] =	ssyncset.s32 @!p0 $0xFFFFF086;
	s6 =	sadd.s32 @!p0 s3, s7;
	s7 =	simm.s32 @!p0 $0x108  }
0x21: {  	s3 =	sadd.s32 s3, s9;
	s6 =	sadd.s32 @!p0 $0x88, s6;
	s7 =	simm.s32 @p2 $0x1082  }
0x22: {  	[simem:s7], [sflag:s8] =	dma.local @!p0 [hbm:s6], $0xF7A  }
0x23: {  	s9 =	sor.u32 $0xD0000000, s2;
	s6 =	simm.s32 $0x108;
	_ =	swait.ge @!p0 [sflag:s8], $0x0  }
0x24: {  	s3 =	sadd.s32 $0x88, s3;
	s6 =	simm.s32 @!p1 $0x1082;
	[sflag:s4] =	ssyncset.s32 $0xFFFFF086  }
0x25: {  	[simem:s6], [sflag:s4] =	dma.local [hbm:s3], $0xF7A  }
0x26: {  	[smem:$0x3F96] =	sst s1;
	(tag) =	ssettag s2;
	_ =	strace s9  }
0x27: {  	s1 =	sld [smem:$0x3FA6]  }
0x28: {  	s2 =	sld [smem:$0x3FA7]  }
0x29: {  	s4 =	sld [smem:$0x3FA9]  }
0x2a: {  	p0 =	seq.s32 s5, $0x0;
	s5 =	sld [smem:$0x3FAA]  }
0x2b: {  	s6 =	sld [smem:$0x3FAB]  }
0x2c: {  	s7 =	sld [smem:$0x3FAC]  }
0x2d: {  	s3 =	simm.s32 $0x108;
	s8 =	sld [smem:$0x3FAD]  }
0x2e: {  	s3 =	simm.s32 @!p0 $0x1082;
	s9 =	sld [smem:$0x3FAE]  }
0x2f: {  	lr =	sadd.s32 s0, s3;
	s0 =	sld [smem:$0x3FA5]  }
0x30: {  	s3 =	sld [smem:$0x3FA8]  }
0x31: {  	[smem:$0x3FB1] =	sst s10  }
0x32: {  	s10 =	sld [smem:$0x3FAF];
	_ =	sdelay $0x3  }
0x33: {  	p0 =	seq.s32 s10, $0x1;
	s10 =	sld [smem:$0x3FB1];
	_ =	sdelay $0x3  }
0x34: {  	[smem:$0x3FB1] =	sst s10  }
0x35: {  	s10 =	sld [smem:$0x3FB0];
	_ =	sdelay $0x3  }
0x36: {  	p1 =	seq.s32 s10, $0x1;
	s10 =	sld [smem:$0x3FB1];
	_ =	sdelay $0x3  }
0x37: {  	[smem:$0x3FB1] =	sst s10  }
0x38: {  	s10 =	sld [smem:$0x3FB2]  }
0x39: {  	_ = 	snop;
	(pc) =	sbr.ind lr, $3  }
0x3a: {  	_ = 	snop  }
0x3b: {  	_ = 	snop  }
0x3c: {  	p2 =	seq.s32 s10, $0x1;
	s10 =	sld [smem:$0x3FB1]  }
0x3d: {  	_ =	shalt  }
0x3e: {  	_ =	shalt  }
0x3f: {  	_ =	shalt  }
0x40: {  	_ =	shalt  }
0x41: {  	_ =	shalt  }
0x42: {  	_ =	shalt  }
0x43: {  	_ =	shalt  }
0x44: {  	_ =	shalt  }
0x45: {  	_ =	shalt  }
0x46: {  	_ =	shalt  }
0x47: {  	_ =	shalt  }
0x48: {  	_ =	shalt  }
0x49: {  	_ =	shalt  }
0x4a: {  	_ =	shalt  }
0x4b: {  	_ =	shalt  }
0x4c: {  	_ =	shalt  }
0x4d: {  	_ =	shalt  }
0x4e: {  	_ =	shalt  }
0x4f: {  	_ =	shalt  }
0x50: {  	_ =	shalt  }
0x51: {  	_ =	shalt  }
0x52: {  	_ =	shalt  }
0x53: {  	_ =	shalt  }
0x54: {  	_ =	shalt  }
0x55: {  	_ =	shalt  }
0x56: {  	_ =	shalt  }
0x57: {  	_ =	shalt  }
0x58: {  	_ =	shalt  }
0x59: {  	_ =	shalt  }
0x5a: {  	_ =	shalt  }
0x5b: {  	_ =	shalt  }
0x5c: {  	_ =	shalt  }
0x5d: {  	_ =	shalt  }
0x5e: {  	_ =	shalt  }
0x5f: {  	_ =	shalt  }
0x60: {  	_ =	shalt  }
0x61: {  	_ =	shalt  }
0x62: {  	_ =	shalt  }
0x63: {  	_ =	shalt  }
0x64: {  	_ =	shalt  }
0x65: {  	_ =	shalt  }
0x66: {  	_ =	shalt  }
0x67: {  	_ =	shalt  }
0x68: {  	_ =	shalt  }
0x69: {  	_ =	shalt  }
0x6a: {  	_ =	shalt  }
0x6b: {  	_ =	shalt  }
0x6c: {  	_ =	shalt  }
0x6d: {  	_ =	shalt  }
0x6e: {  	_ =	shalt  }
0x6f: {  	_ =	shalt  }
0x70: {  	_ =	shalt  }
0x71: {  	_ =	shalt  }
0x72: {  	_ =	shalt  }
0x73: {  	_ =	shalt  }
0x74: {  	_ =	shalt  }
0x75: {  	_ =	shalt  }
0x76: {  	_ =	shalt  }
0x77: {  	_ =	shalt  }
0x78: {  	_ =	shalt  }
0x79: {  	_ =	shalt  }
0x7a: {  	_ =	shalt  }
0x7b: {  	_ =	shalt  }
0x7c: {  	_ =	shalt  }
0x7d: {  	_ =	shalt  }
0x7e: {  	_ =	shalt  }
0x7f: {  	_ =	shalt  }
0x80: {  	_ =	shalt  }
0x81: {  	_ =	shalt  }
0x82: {  	_ =	shalt  }
0x83: {  	_ =	shalt  }
0x84: {  	_ =	shalt  }
0x85: {  	_ =	shalt  }
0x86: {  	_ =	shalt  }
0x87: {  	_ =	shalt  }
.Lfunc_end0:
.L_simem_size_0:
called_computation.1_lowered:
.L_overlay_start_0:
0x88: {  	s2 =	sld [smem:$0x3FD9]  }
0x89: {  	s3 =	sld [smem:$0x3FFE];
	_ =	sdelay $0x1  }
0x8a: {  	s1 =	srdreg.scid  }
0x8b: {  	s0 =	sand.u32 $0x1, s1  }
0x8c: {  	s17 =	sshll.u32 s0, $0xA;
	s2 =	sadd.s32 s3, s2  }
0x8d: {  	s2 =	sadd.s32 s2, s17  }
0x8e: {  	[smem:$0x3FBD] =	sst s2  }
0x8f: {  	_ = 	snop  }
0x90: {  	s2 =	sld [smem:$0x3FD0];
	(tm) =	ssettm $0x1  }
0x91: {  	s18 =	sld [smem:$0x3FFB];
	_ =	sdelay $0x3  }
0x92: {  	_ =	strace s18  }
0x93: {  	s3 =	sld [smem:$0x3FFC];
	_ =	sdelay $0x3  }
0x94: {  	_ =	strace s3  }
0x95: {  	s3 =	sld [smem:$0x3FFD];
	_ =	sdelay $0x3  }
0x96: {  	_ =	strace s3  }
0x97: {  	_ =	strace $0x8FFFFFFF  }
0x98: {  	s19 =	sld [smem:$0x3FDB];
	_ =	sdelay $0x1  }
0x99: {  	s4 =	simm.s32 $_scs_section_size  }
0x9a: {  	s5 =	simm.s32 $_size__tile_overlayer_lowered;
	s6 =	simm.s32 $_tile_overlayer_lowered  }
0x9b: {  	s22 =	simm.s32 $0x1BFF;
	s21 =	sshll.u32 s6, $0x1;
	s3 =	sadd.s32 s4, s19  }
0x9c: {  	s7 =	simm.s32 $0x0;
	s20 =	sshll.u32 s5, $0x1;
	s5 =	sadd.s32 s21, s3  }
0x9d: {  	[timem:s7], [sflag:s22] =	dma.local [hbm:s5], s20  }
0x9e: {  	_ =	swait.ge [sflag:s22], s20  }
0x9f: {  	s4 =	ssub.s32 $0x0, s20;
	[sflag:s22] =	ssyncset.done $0x0  }
0xa0: {  	[sflag:s22] =	ssyncadd.s32 s4;
	_ =	sdelay $0x1  }
0xa1: {  	s23 =	simm.s32 $0x1B8B  }
0xa2: {  	_ =	swait.ge [sflag:s23], $0x1  }
0xa3: {  	[sflag:s23] =	ssyncset.done $0x0  }
0xa4: {  	s25 =	simm.s32 $0x1B8E;
	s24 =	sld [smem:$0x3FFE];
	[sflag:s23] =	ssyncadd.s32 $0xFFFFFFFF  }
0xa5: {  	s26 =	simm.s32 $execute0_lowered;
	[smem:$0x3FD2] =	sst s25  }
0xa6: {  	s5 =	sshll.u32 s26, $0x1;
	_ =	strace $0x80000046;
	[dreg:$0x1] =	wrdreg $0xFFFFFFFF  }
0xa7: {  	s28 =	simm.s32 $_size_execute0_lowered;
	s3 =	sadd.s32 s3, s5;
	[dreg:$0x0] =	wrdreg $0x0  }
0xa8: {  	s5 =	sshll.u32 s28, $0x1;
	[dreg:$0x2] =	wrdreg s3  }
0xa9: {  	[dreg:$0x3] =	wrdreg s5  }
0xaa: {  	[dreg:$0x4] =	wrdreg $0xC0  }
0xab: {  	_ =	task [dreg:s7], $0x5FFFF  }
0xac: {  	[dreg:$0x1] =	wrdreg $0xFFFFFFFF  }
0xad: {  	[dreg:$0x0] =	wrdreg $0x60  }
0xae: {  	[dreg:$0x2] =	wrdreg s24  }
0xaf: {  	[dreg:$0x3] =	wrdreg s2  }
0xb0: {  	[dreg:$0x4] =	wrdreg $0x41000  }
0xb1: {  	[dreg:$0x5] =	wrdreg $0xA  }
0xb2: {  	_ =	task.clear_ibuf [dreg:s7], $0x6FFFF;
	_ =	strace $0x90000046  }
0xb3: {  	s29 =	simm.s32 $0xA;
	_ =	strace $0x80000048  }
0xb4: {  	_ =	swait.ge [sflag:s29], $0x1  }
0xb5: {  	[sflag:s29] =	ssyncadd.s32 $0xFFFFFFFF  }
0xb6: {  	_ =	strace $0x90000048  }
0xb7: {  	_ =	sfence  }
0xb8: {  	s30 =	sld [smem:$0x0];
	_ =	sdelay $0x2  }
0xb9: {  	s31 =	sshll.u32 s1, $0xD;
	s1 =	sshrl.u32 s1, $0x2  }
0xba: {  	s3 =	sand.u32 $0x4000, s31;
	s1 =	sadd.s32 s1, s30  }
0xbb: {  	s0 =	sor.u32 s3, s0;
	s1 =	sshll.u32 s1, $0x11  }
0xbc: {  	s0 =	sor.u32 s1, s0  }
0xbd: {  	s0 =	sadd.s32 $0x8F2B, s0  }
0xbe: {  	[sflag:s0] =	ssyncadd.remote.s32 $0x1  }
0xbf: {  	_ =	sfence.sel $0xFFFF  }
0xc0: {  	[dreg:$0x0] =	wrdreg $0xFFFFFFFF;
	(pc) =	sbr.abs _section_cstart, $3  }
0xc1: {  	[dreg:$0x1] =	wrdreg $0xFFFFFFFF  }
0xc2: {  	_ =	task.clear_ibuf [dreg:s7], $0x2FFFF;
	_ =	strace $0x9FFFFFFF  }
0xc3: {  	(tm) =	ssettm $0x7FFFFFFF  }
tec
execute0_lowered:
.L_overlay_start_1:
0x0: {  	(tag) =	ssettag $0x1  }
0x1: {  	s0 =	srdreg.scid  }
0x2: {  	s6 =	sand.u32 $0x1, s0  }
0x3: {  	s7 =	rddreg [dreg:$0x0];
	s1 =	smul.u32 $0x1300, s6  }
0x4: {  	s11 =	rddreg [dreg:$0x1];
	s4 =	smul.u32 $0x1E000, s6  }
0x5: {  	s0 =	stileid.u32;
	s8 =	smul.u32 $0x140000, s6  }
0x6: {  	s2 =	rddreg [dreg:$0x2];
	s3 =	simm.s32 $0x0;
	s9 =	smul.u32 $0x14000, s0  }
0x7: {  	[smem:$0x7FF] =	sst s3;
	s13 =	smul.u32 $0x50000, s0  }
0x8: {  	s28 =	ssub.s32 $0x2, s6;
	s14 =	smul.u32 $0x26, s6;
	s31 =	sshll.u32 s0, $0x6  }
0x9: {  	s29 =	sshrl.u32 s28, $0x1;
	s6 =	sor.u32 $0x1C02, s31;
	s1 =	sadd.s32 $0x1E00, s1  }
0xa: {  	s8 =	sadd.s32 s9, s8;
	s9 =	ssub.s32 s28, s29;
	s30 =	sshrl.u32 s13, $0x2  }
0xb: {  	s5 =	smul.u32 s0, s1;
	s1 =	rddreg [dreg:$0x3];
	_ =	strace $0x80000047  }
0xc: {  	s8 =	sshrl.u32 s8, $0x3;
	s13 =	sadd.s32 s30, s2;
	s9 =	smax.u32 s9, $0x1  }
0xd: {  	s8 =	sadd.s32 s8, s7;
	s5 =	sadd.s32 s4, s5;
	s4 =	sadd.s32 $0xD000, s7  }
0xe: {  	s8 =	sadd.s32 $0x37800, s8;
	s12 =	sshrl.u32 s5, $0x3;
	s5 =	sadd.s32 $0x35000, s7  }
0xf: {  	s10 =	sadd.s32 s12, s7;
	s7 =	sadd.s32 $0x3C, s14;
	s11 =	sadd.s32 s12, s11  }
0x10: {  	s12 =	sshrl.u32 s13, $0x3;
	s13 =	simm.s32 $0x2;
	s10 =	sadd.s32 $0x3200, s10  }
.LBB2_1:
0x11: {  	[spmem:s12], [sflag:s6] =	dma.local [hbm:s5], $0x2800  }
0x12: {  	_ =	swait.ge [sflag:s13], $0x2800  }
0x13: {  	[sflag:s13] =	ssyncset.done $0x0  }
0x14: {  	p0 =	sle.u32 s7, $0x0;
	[sflag:s13] =	ssyncadd.s32 $0xFFFFD800  }
0x15: {  	s14 =	simm.s32 @!p0 $0x0;
	s15 =	simm.s32 @!p0 $0x3;
	[bflag:$0x0] =	sbarrier.arrive $0xFFFF  }
0x16: {  	[tilespmem:s14], [sflag:$0x3] =	stream.linear.gather @!p0 [hbm4b:s11+s14], $0x80, $0x38;
	[tilespmem:$0x18100] =	vst v63  }
0x17: {  	_ =	swait.ge @!p0 [sflag:s15], $0x80  }
0x18: {  	[sflag:s15] =	ssyncset.done @!p0 $0x0;
	p0 =	por p0, p0  }
0x19: {  	[sflag:s15] =	ssyncadd.s32 @!p0 $0xFFFFFF80;
	s16 =	simm.s32 @!p0 $0x80  }
0x1a: {  	[tilespmem:s16], [sflag:$0x3] =	stream.linear.gather @!p0 [hbm4b:s10+s14], $0x80, $0x38;
	[tilespmem:$0x18100] =	vst v63  }
0x1b: {  	_ =	swait.ge @!p0 [sflag:s15], $0x80  }
0x1c: {  	[sflag:s15] =	ssyncset.done @!p0 $0x0  }
0x1d: {  	s17 =	simm.s32 @!p0 $0x1;
	[sflag:s15] =	ssyncadd.s32 @!p0 $0xFFFFFF80;
	s15 =	simm.s32 @!p0 $0x100  }
0x1e: {  	[tilespmem:s15], [sflag:$0x1] =	stream.indirect.gather @!p0 [hbm4b:s4+s16], $0x80, s14, s16, $0xb8;
	[tilespmem:$0x18100] =	vst v63  }
0x1f: {  	_ =	swait.ge @!p0 [sflag:s17], $0x4000  }
0x20: {  	[sflag:s17] =	ssyncset.done @!p0 $0x0  }
0x21: {  	[sflag:s17] =	ssyncadd.s32 @!p0 $0xFFFFC000;
	s17 =	simm.s32 @!p0 $0x2  }
0x22: {  	[spmem:s2] =	stream.indirect.scatter.add.f32 @!p0 [tilespmem:s15], [sflag:$0x2], $0x80, s16, s16, $0xb8;
	[tilespmem:$0x18100] =	vst v63  }
0x23: {  	p2 =	sle.u32 s7, $0x1;
	s14 =	sadd.s32 $0x10, s10;
	_ =	swait.ge @!p0 [sflag:s17], $0x4000  }
0x24: {  	s16 =	simm.s32 $0x2;
	s15 =	sadd.s32 $0x10, s11;
	[sflag:s17] =	ssyncset.done @!p0 $0x0  }
.LBB2_2:
0x25: {  	s18 =	simm.s32 @!p2 $0x0;
	s19 =	simm.s32 @!p2 $0x3;
	[sflag:s17] =	ssyncadd.s32 @!p0 $0xFFFFC000  }
0x26: {  	[tilespmem:s18], [sflag:$0x3] =	stream.linear.gather @!p2 [hbm4b:s15+s18], $0x80, $0x38;
	[tilespmem:$0x18100] =	vst v63  }
0x27: {  	s20 =	smov.u32 s16;
	s16 =	sadd.s32 $0x1, s16;
	_ =	swait.ge @!p2 [sflag:s19], $0x80  }
0x28: {  	p0 =	por p2, p2;
	p1 =	sne.s32 s16, $0x62;
	[sflag:s19] =	ssyncset.done @!p2 $0x0  }
0x29: {  	s21 =	simm.s32 @!p0 $0x80;
	[sflag:s19] =	ssyncadd.s32 @!p0 $0xFFFFFF80  }
0x2a: {  	[tilespmem:s21], [sflag:$0x3] =	stream.linear.gather @!p0 [hbm4b:s14+s18], $0x80, $0x38;
	[tilespmem:$0x18100] =	vst v63  }
0x2b: {  	_ =	swait.ge @!p0 [sflag:s19], $0x80  }
0x2c: {  	[sflag:s19] =	ssyncset.done @!p0 $0x0  }
0x2d: {  	s17 =	simm.s32 @!p0 $0x1;
	[sflag:s19] =	ssyncadd.s32 @!p0 $0xFFFFFF80;
	s19 =	simm.s32 @!p0 $0x100  }
0x2e: {  	[tilespmem:s19], [sflag:$0x1] =	stream.indirect.gather @!p0 [hbm4b:s4+s21], $0x80, s18, s21, $0xb8;
	[tilespmem:$0x18100] =	vst v63  }
0x2f: {  	_ =	swait.ge @!p0 [sflag:s17], $0x4000  }
.Ltmp0:
0x30: {  	[sflag:s17] =	ssyncset.done @!p0 $0x0;
	(pc) =	sbr.rel @p1 .LBB2_2-.Ltmp0, $4  }
0x31: {  	[sflag:s17] =	ssyncadd.s32 @!p0 $0xFFFFC000;
	s17 =	simm.s32 @!p0 $0x2  }
0x32: {  	[spmem:s2] =	stream.indirect.scatter.add.f32 @!p0 [tilespmem:s19], [sflag:$0x2], $0x80, s21, s21, $0xb8;
	[tilespmem:$0x18100] =	vst v63  }
0x33: {  	s15 =	sadd.s32 $0x10, s15;
	_ =	swait.ge @!p0 [sflag:s17], $0x4000  }
0x34: {  	p2 =	sge.u32 s20, s7;
	s14 =	sadd.s32 $0x10, s14;
	[sflag:s17] =	ssyncset.done @!p0 $0x0  }
0x35: {  	s16 =	simm.s32 @!p2 $0x0;
	s18 =	simm.s32 @!p2 $0x3;
	[sflag:s17] =	ssyncadd.s32 @!p0 $0xFFFFC000  }
0x36: {  	[tilespmem:s16], [sflag:$0x3] =	stream.linear.gather @!p2 [hbm4b:s15+s16], $0x80, $0x38;
	[tilespmem:$0x18100] =	vst v63  }
0x37: {  	_ =	swait.ge @!p2 [sflag:s18], $0x80  }
0x38: {  	p0 =	por p2, p2;
	[sflag:s18] =	ssyncset.done @!p2 $0x0  }
0x39: {  	s15 =	simm.s32 @!p0 $0x80;
	[sflag:s18] =	ssyncadd.s32 @!p0 $0xFFFFFF80  }
0x3a: {  	[tilespmem:s15], [sflag:$0x3] =	stream.linear.gather @!p0 [hbm4b:s14+s16], $0x80, $0x38;
	[tilespmem:$0x18100] =	vst v63  }
0x3b: {  	_ =	swait.ge @!p0 [sflag:s18], $0x80  }
0x3c: {  	[sflag:s18] =	ssyncset.done @!p0 $0x0  }
0x3d: {  	s17 =	simm.s32 @!p0 $0x1;
	s14 =	simm.s32 @!p0 $0x100;
	[sflag:s18] =	ssyncadd.s32 @!p0 $0xFFFFFF80  }
0x3e: {  	[tilespmem:s14], [sflag:$0x1] =	stream.indirect.gather @!p0 [hbm4b:s4+s15], $0x80, s16, s15, $0xb8;
	[tilespmem:$0x18100] =	vst v63  }
0x3f: {  	_ =	swait.ge @!p0 [sflag:s17], $0x4000  }
0x40: {  	[sflag:s17] =	ssyncset.done @!p0 $0x0  }
0x41: {  	s16 =	simm.s32 @!p0 $0x2;
	[sflag:s17] =	ssyncadd.s32 @!p0 $0xFFFFC000  }
0x42: {  	[spmem:s2] =	stream.indirect.scatter.add.f32 @!p0 [tilespmem:s14], [sflag:$0x2], $0x80, s15, s15, $0xb8;
	[tilespmem:$0x18100] =	vst v63  }
0x43: {  	_ =	swait.ge @!p0 [sflag:s16], $0x4000  }
0x44: {  	s3 =	sadd.s32 $0x1, s3;
	[sflag:s16] =	ssyncset.done @!p0 $0x0  }
0x45: {  	[sflag:s16] =	ssyncadd.s32 @!p0 $0xFFFFC000;
	p0 =	sne.s32 s3, s9  }
.Ltmp1:
0x46: {  	[bflag:$0x0] =	sbarrier.arrive $0xFFFF;
	(pc) =	sbr.rel @p0 .LBB2_1-.Ltmp1, $4  }
0x47: {  	[hbm:s8], [sflag:s6] =	dma.local [spmem:s12], $0x2800  }
0x48: {  	_ =	swait.ge [sflag:s13], $0x2800  }
0x49: {  	[sflag:s13] =	ssyncset.done $0x0  }
0x4a: {  	[sflag:s13] =	ssyncadd.s32 $0xFFFFD800  }
0x4b: {  	_ =	sfence.sel $0x180000  }
0x4c: {  	[bflag:$0x0] =	sbarrier.arrive $0xFFFF  }
0x4d: {  	p0 =	sne.s32 s0, $0x0;
	_ =	strace $0x90000047  }
0x4e: {  	s0 =	sadd.s32 @!p0 $0x100000, s1;
	[bflag:$0x2] =	sbarrier.arrive $0xFFFF  }
0x4f: {  	[sflag:s0] =	ssyncadd.tile.s32 @!p0 $0x1;
	_ =	shalt  }
.Lfunc_end2:
_tile_overlayer_lowered:
.L_overlay_start_2:
0x50: {  	(tag) =	ssettag $0x2  }
0x51: {  	s0 =	rddreg [dreg:$0x0];
	s2 =	stileid.u32  }
0x52: {  	s1 =	rddreg [dreg:$0x1];
	p0 =	sne.s32 s2, $0x0  }
0x53: {  	s3 =	rddreg [dreg:$0x2];
	[bflag:$0x3] =	sbarrier.arrive $0xFFFF;
	s2 =	simm.s32 @!p0 $0x1C02  }
0x54: {  	[timem:s3], [sflag:s2] =	dma.local @!p0 [hbm:s0], s1  }
0x55: {  	s0 =	simm.s32 @!p0 $0x2  }
0x56: {  	_ =	swait.ge @!p0 [sflag:s0], s1  }
0x57: {  	s1 =	ssub.s32 @!p0 $0x0, s1;
	[sflag:s0] =	ssyncset.done @!p0 $0x0  }
0x58: {  	[sflag:s0] =	ssyncadd.s32 @!p0 s1  }
0x59: {  	[bflag:$0x3] =	sbarrier.arrive $0xFFFF  }
0x5a: {  	_ =	shalt  }

// kernel: kernel.15.cloned.1.call-start
scs
__scs_entry_jumppad:
0x0: {  	(pc) =	sbr.rel $0x88, $3  }
0x1: {  	(tag) =	ssettag $0x0;
	lr =	simm.s32 $0x1  }
0x2: {  	[smem:$0x3F96] =	sst lr;
	_ =	strace $0xD0000000  }
0x3: {  	_ = 	snop  }
0x4: {  	_ = 	snop  }
0x5: {  	_ = 	snop  }
0x6: {  	_ = 	snop  }
0x7: {  	_ = 	snop  }
__scs_overlays_trampoline_lowered:
0x8: {  	[smem:$0x3FA5] =	sst s0  }
0x9: {  	[smem:$0x3FA6] =	sst s1  }
0xa: {  	[smem:$0x3FA7] =	sst s2  }
0xb: {  	[smem:$0x3FA8] =	sst s3  }
0xc: {  	[smem:$0x3FA9] =	sst s4  }
0xd: {  	[smem:$0x3FAA] =	sst s5  }
0xe: {  	[smem:$0x3FAB] =	sst s6  }
0xf: {  	[smem:$0x3FAC] =	sst s7  }
0x10: {  	[smem:$0x3FAD] =	sst s8  }
0x11: {  	[smem:$0x3FAE] =	sst s9;
	s0 =	simm.s32 @!p0 $0x0  }
0x12: {  	s1 =	sld [smem:$0x3F94];
	s0 =	simm.s32 @p0 $0x1  }
0x13: {  	[smem:$0x3FAF] =	sst s0;
	s0 =	simm.s32 @!p1 $0x0  }
0x14: {  	s2 =	sld [smem:$0x3F93];
	s0 =	simm.s32 @p1 $0x1  }
0x15: {  	[smem:$0x3FB0] =	sst s0;
	s0 =	simm.s32 @!p2 $0x0  }
0x16: {  	s3 =	sld [smem:$0x3FDB];
	s0 =	simm.s32 @p2 $0x1  }
0x17: {  	s4 =	simm.s32 $0x1BF5;
	[smem:$0x3FB2] =	sst s0  }
0x18: {  	s0 =	sld [smem:$0x3F95];
	_ =	swait.ge [sflag:s4], $0x0  }
0x19: {  	s7 =	sld [smem:$0x3F96]  }
0x1a: {  	s8 =	sadd.s32 $0xFFFFE003, lr  }
0x1b: {  	s9 =	sadd.s32 $0xFFFFFEF7, lr;
	s5 =	simm.s32 $0xFFFFFFFF;
	p2 =	slt.u32 s8, $0xFFFFF086  }
0x1c: {  	p1 =	slt.u32 s9, $0xF7A;
	s5 =	simm.s32 @!p2 $0x0  }
0x1d: {  	s5 =	simm.s32 @p1 $0x1;
	p0 =	seq.s32 s7, s2  }
0x1e: {  	s7 =	smul.u32 @!p0 $0xF7A, s2;
	p2 =	seq.s32 @!p0 s5, $0x0  }
0x1f: {  	s9 =	smul.u32 $0xF7A, s1;
	s8 =	simm.s32 @!p0 $0x1BF5;
	p2 =	por !p2, p0  }
0x20: {  	[sflag:s8] =	ssyncset.s32 @!p0 $0xFFFFF086;
	s6 =	sadd.s32 @!p0 s3, s7;
	s7 =	simm.s32 @!p0 $0x108  }
0x21: {  	s3 =	sadd.s32 s3, s9;
	s6 =	sadd.s32 @!p0 $0x88, s6;
	s7 =	simm.s32 @p2 $0x1082  }
0x22: {  	[simem:s7], [sflag:s8] =	dma.local @!p0 [hbm:s6], $0xF7A  }
0x23: {  	s9 =	sor.u32 $0xD0000000, s2;
	s6 =	simm.s32 $0x108;
	_ =	swait.ge @!p0 [sflag:s8], $0x0  }
0x24: {  	s3 =	sadd.s32 $0x88, s3;
	s6 =	simm.s32 @!p1 $0x1082;
	[sflag:s4] =	ssyncset.s32 $0xFFFFF086  }
0x25: {  	[simem:s6], [sflag:s4] =	dma.local [hbm:s3], $0xF7A  }
0x26: {  	[smem:$0x3F96] =	sst s1;
	(tag) =	ssettag s2;
	_ =	strace s9  }
0x27: {  	s1 =	sld [smem:$0x3FA6]  }
0x28: {  	s2 =	sld [smem:$0x3FA7]  }
0x29: {  	s4 =	sld [smem:$0x3FA9]  }
0x2a: {  	p0 =	seq.s32 s5, $0x0;
	s5 =	sld [smem:$0x3FAA]  }
0x2b: {  	s6 =	sld [smem:$0x3FAB]  }
0x2c: {  	s7 =	sld [smem:$0x3FAC]  }
0x2d: {  	s3 =	simm.s32 $0x108;
	s8 =	sld [smem:$0x3FAD]  }
0x2e: {  	s3 =	simm.s32 @!p0 $0x1082;
	s9 =	sld [smem:$0x3FAE]  }
0x2f: {  	lr =	sadd.s32 s0, s3;
	s0 =	sld [smem:$0x3FA5]  }
0x30: {  	s3 =	sld [smem:$0x3FA8]  }
0x31: {  	[smem:$0x3FB1] =	sst s10  }
0x32: {  	s10 =	sld [smem:$0x3FAF];
	_ =	sdelay $0x3  }
0x33: {  	p0 =	seq.s32 s10, $0x1;
	s10 =	sld [smem:$0x3FB1];
	_ =	sdelay $0x3  }
0x34: {  	[smem:$0x3FB1] =	sst s10  }
0x35: {  	s10 =	sld [smem:$0x3FB0];
	_ =	sdelay $0x3  }
0x36: {  	p1 =	seq.s32 s10, $0x1;
	s10 =	sld [smem:$0x3FB1];
	_ =	sdelay $0x3  }
0x37: {  	[smem:$0x3FB1] =	sst s10  }
0x38: {  	s10 =	sld [smem:$0x3FB2]  }
0x39: {  	_ = 	snop;
	(pc) =	sbr.ind lr, $3  }
0x3a: {  	_ = 	snop  }
0x3b: {  	_ = 	snop  }
0x3c: {  	p2 =	seq.s32 s10, $0x1;
	s10 =	sld [smem:$0x3FB1]  }
0x3d: {  	_ =	shalt  }
0x3e: {  	_ =	shalt  }
0x3f: {  	_ =	shalt  }
0x40: {  	_ =	shalt  }
0x41: {  	_ =	shalt  }
0x42: {  	_ =	shalt  }
0x43: {  	_ =	shalt  }
0x44: {  	_ =	shalt  }
0x45: {  	_ =	shalt  }
0x46: {  	_ =	shalt  }
0x47: {  	_ =	shalt  }
0x48: {  	_ =	shalt  }
0x49: {  	_ =	shalt  }
0x4a: {  	_ =	shalt  }
0x4b: {  	_ =	shalt  }
0x4c: {  	_ =	shalt  }
0x4d: {  	_ =	shalt  }
0x4e: {  	_ =	shalt  }
0x4f: {  	_ =	shalt  }
0x50: {  	_ =	shalt  }
0x51: {  	_ =	shalt  }
0x52: {  	_ =	shalt  }
0x53: {  	_ =	shalt  }
0x54: {  	_ =	shalt  }
0x55: {  	_ =	shalt  }
0x56: {  	_ =	shalt  }
0x57: {  	_ =	shalt  }
0x58: {  	_ =	shalt  }
0x59: {  	_ =	shalt  }
0x5a: {  	_ =	shalt  }
0x5b: {  	_ =	shalt  }
0x5c: {  	_ =	shalt  }
0x5d: {  	_ =	shalt  }
0x5e: {  	_ =	shalt  }
0x5f: {  	_ =	shalt  }
0x60: {  	_ =	shalt  }
0x61: {  	_ =	shalt  }
0x62: {  	_ =	shalt  }
0x63: {  	_ =	shalt  }
0x64: {  	_ =	shalt  }
0x65: {  	_ =	shalt  }
0x66: {  	_ =	shalt  }
0x67: {  	_ =	shalt  }
0x68: {  	_ =	shalt  }
0x69: {  	_ =	shalt  }
0x6a: {  	_ =	shalt  }
0x6b: {  	_ =	shalt  }
0x6c: {  	_ =	shalt  }
0x6d: {  	_ =	shalt  }
0x6e: {  	_ =	shalt  }
0x6f: {  	_ =	shalt  }
0x70: {  	_ =	shalt  }
0x71: {  	_ =	shalt  }
0x72: {  	_ =	shalt  }
0x73: {  	_ =	shalt  }
0x74: {  	_ =	shalt  }
0x75: {  	_ =	shalt  }
0x76: {  	_ =	shalt  }
0x77: {  	_ =	shalt  }
0x78: {  	_ =	shalt  }
0x79: {  	_ =	shalt  }
0x7a: {  	_ =	shalt  }
0x7b: {  	_ =	shalt  }
0x7c: {  	_ =	shalt  }
0x7d: {  	_ =	shalt  }
0x7e: {  	_ =	shalt  }
0x7f: {  	_ =	shalt  }
0x80: {  	_ =	shalt  }
0x81: {  	_ =	shalt  }
0x82: {  	_ =	shalt  }
0x83: {  	_ =	shalt  }
0x84: {  	_ =	shalt  }
0x85: {  	_ =	shalt  }
0x86: {  	_ =	shalt  }
0x87: {  	_ =	shalt  }
.Lfunc_end0:
.L_simem_size_0:
called_computation.2_lowered:
.L_overlay_start_0:
0x88: {  	s2 =	sld [smem:$0x3FD9]  }
0x89: {  	s3 =	sld [smem:$0x3FFE];
	_ =	sdelay $0x1  }
0x8a: {  	s1 =	srdreg.scid  }
0x8b: {  	s0 =	sand.u32 $0x1, s1  }
0x8c: {  	s17 =	sshll.u32 s0, $0xA;
	s2 =	sadd.s32 s3, s2  }
0x8d: {  	s2 =	sadd.s32 s2, s17  }
0x8e: {  	[smem:$0x3FBD] =	sst s2  }
0x8f: {  	_ = 	snop  }
0x90: {  	s2 =	sld [smem:$0x3FD0];
	(tm) =	ssettm $0x1  }
0x91: {  	s18 =	sld [smem:$0x3FFB];
	_ =	sdelay $0x3  }
0x92: {  	_ =	strace s18  }
0x93: {  	s3 =	sld [smem:$0x3FFC];
	_ =	sdelay $0x3  }
0x94: {  	_ =	strace s3  }
0x95: {  	s3 =	sld [smem:$0x3FFD];
	_ =	sdelay $0x3  }
0x96: {  	_ =	strace s3  }
0x97: {  	_ =	strace $0x8FFFFFFF  }
0x98: {  	s19 =	sld [smem:$0x3FDB];
	_ =	sdelay $0x1  }
0x99: {  	s4 =	simm.s32 $_scs_section_size  }
0x9a: {  	s5 =	simm.s32 $_size__tile_overlayer_lowered;
	s6 =	simm.s32 $_tile_overlayer_lowered  }
0x9b: {  	s22 =	simm.s32 $0x1BFF;
	s21 =	sshll.u32 s6, $0x1;
	s3 =	sadd.s32 s4, s19  }
0x9c: {  	s7 =	simm.s32 $0x0;
	s20 =	sshll.u32 s5, $0x1;
	s5 =	sadd.s32 s21, s3  }
0x9d: {  	[timem:s7], [sflag:s22] =	dma.local [hbm:s5], s20  }
0x9e: {  	_ =	swait.ge [sflag:s22], s20  }
0x9f: {  	s4 =	ssub.s32 $0x0, s20;
	[sflag:s22] =	ssyncset.done $0x0  }
0xa0: {  	[sflag:s22] =	ssyncadd.s32 s4;
	_ =	sdelay $0x1  }
0xa1: {  	s23 =	simm.s32 $0x1B8B  }
0xa2: {  	_ =	swait.ge [sflag:s23], $0x1  }
0xa3: {  	[sflag:s23] =	ssyncset.done $0x0  }
0xa4: {  	s25 =	simm.s32 $0x1B8E;
	s24 =	sld [smem:$0x3FFE];
	[sflag:s23] =	ssyncadd.s32 $0xFFFFFFFF  }
0xa5: {  	s26 =	simm.s32 $execute0_lowered;
	[smem:$0x3FD2] =	sst s25  }
0xa6: {  	s5 =	sshll.u32 s26, $0x1;
	_ =	strace $0x8000004C;
	[dreg:$0x1] =	wrdreg $0xFFFFFFFF  }
0xa7: {  	s28 =	simm.s32 $_size_execute0_lowered;
	s3 =	sadd.s32 s3, s5;
	[dreg:$0x0] =	wrdreg $0x0  }
0xa8: {  	s5 =	sshll.u32 s28, $0x1;
	[dreg:$0x2] =	wrdreg s3  }
0xa9: {  	[dreg:$0x3] =	wrdreg s5  }
0xaa: {  	[dreg:$0x4] =	wrdreg $0xC0  }
0xab: {  	_ =	task [dreg:s7], $0x5FFFF  }
0xac: {  	[dreg:$0x1] =	wrdreg $0xFFFFFFFF  }
0xad: {  	[dreg:$0x0] =	wrdreg $0x60  }
0xae: {  	[dreg:$0x2] =	wrdreg s24  }
0xaf: {  	[dreg:$0x3] =	wrdreg s2  }
0xb0: {  	[dreg:$0x4] =	wrdreg $0x41000  }
0xb1: {  	[dreg:$0x5] =	wrdreg $0x9  }
0xb2: {  	_ =	task.clear_ibuf [dreg:s7], $0x6FFFF;
	_ =	strace $0x9000004C  }
0xb3: {  	s29 =	simm.s32 $0x9;
	_ =	strace $0x8000004E  }
0xb4: {  	_ =	swait.ge [sflag:s29], $0x1  }
0xb5: {  	[sflag:s29] =	ssyncadd.s32 $0xFFFFFFFF  }
0xb6: {  	_ =	strace $0x9000004E  }
0xb7: {  	_ =	sfence  }
0xb8: {  	s30 =	sld [smem:$0x0];
	_ =	sdelay $0x2  }
0xb9: {  	s31 =	sshll.u32 s1, $0xD;
	s1 =	sshrl.u32 s1, $0x2  }
0xba: {  	s3 =	sand.u32 $0x4000, s31;
	s1 =	sadd.s32 s1, s30  }
0xbb: {  	s0 =	sor.u32 s3, s0;
	s1 =	sshll.u32 s1, $0x11  }
0xbc: {  	s0 =	sor.u32 s1, s0  }
0xbd: {  	s0 =	sadd.s32 $0x8F2B, s0  }
0xbe: {  	[sflag:s0] =	ssyncadd.remote.s32 $0x1  }
0xbf: {  	_ =	sfence.sel $0xFFFF  }
0xc0: {  	[dreg:$0x0] =	wrdreg $0xFFFFFFFF;
	(pc) =	sbr.abs _section_cstart, $3  }
0xc1: {  	[dreg:$0x1] =	wrdreg $0xFFFFFFFF  }
0xc2: {  	_ =	task.clear_ibuf [dreg:s7], $0x2FFFF;
	_ =	strace $0x9FFFFFFF  }
0xc3: {  	(tm) =	ssettm $0x7FFFFFFF  }
tec
execute0_lowered:
.L_overlay_start_1:
0x0: {  	(tag) =	ssettag $0x1  }
0x1: {  	s0 =	srdreg.scid  }
0x2: {  	s6 =	sand.u32 $0x1, s0  }
0x3: {  	s7 =	rddreg [dreg:$0x0];
	s1 =	smul.u32 $0x1300, s6  }
0x4: {  	s11 =	rddreg [dreg:$0x1];
	s4 =	smul.u32 $0x1E000, s6  }
0x5: {  	s0 =	stileid.u32;
	s8 =	smul.u32 $0x140000, s6  }
0x6: {  	s2 =	rddreg [dreg:$0x2];
	s3 =	simm.s32 $0x0;
	s9 =	smul.u32 $0x14000, s0  }
0x7: {  	[smem:$0x7FF] =	sst s3;
	s13 =	smul.u32 $0x50000, s0  }
0x8: {  	s28 =	ssub.s32 $0x2, s6;
	s14 =	smul.u32 $0x26, s6;
	s31 =	sshll.u32 s0, $0x6  }
0x9: {  	s29 =	sshrl.u32 s28, $0x1;
	s6 =	sor.u32 $0x1C02, s31;
	s1 =	sadd.s32 $0x1E00, s1  }
0xa: {  	s8 =	sadd.s32 s9, s8;
	s9 =	ssub.s32 s28, s29;
	s30 =	sshrl.u32 s13, $0x2  }
0xb: {  	s5 =	smul.u32 s0, s1;
	s1 =	rddreg [dreg:$0x3];
	_ =	strace $0x8000004D  }
0xc: {  	s8 =	sshrl.u32 s8, $0x3;
	s13 =	sadd.s32 s30, s2;
	s9 =	smax.u32 s9, $0x1  }
0xd: {  	s8 =	sadd.s32 s8, s7;
	s5 =	sadd.s32 s4, s5;
	s4 =	sadd.s32 $0xD000, s7  }
0xe: {  	s8 =	sadd.s32 $0x37800, s8;
	s12 =	sshrl.u32 s5, $0x3;
	s5 =	sadd.s32 $0x35000, s7  }
0xf: {  	s10 =	sadd.s32 s12, s7;
	s7 =	sadd.s32 $0x3C, s14;
	s11 =	sadd.s32 s12, s11  }
0x10: {  	s12 =	sshrl.u32 s13, $0x3;
	s13 =	simm.s32 $0x2;
	s10 =	sadd.s32 $0x3200, s10  }
.LBB2_1:
0x11: {  	[spmem:s12], [sflag:s6] =	dma.local [hbm:s5], $0x2800  }
0x12: {  	_ =	swait.ge [sflag:s13], $0x2800  }
0x13: {  	[sflag:s13] =	ssyncset.done $0x0  }
0x14: {  	p0 =	sle.u32 s7, $0x0;
	[sflag:s13] =	ssyncadd.s32 $0xFFFFD800  }
0x15: {  	s14 =	simm.s32 @!p0 $0x0;
	s15 =	simm.s32 @!p0 $0x3;
	[bflag:$0x0] =	sbarrier.arrive $0xFFFF  }
0x16: {  	[tilespmem:s14], [sflag:$0x3] =	stream.linear.gather @!p0 [hbm4b:s11+s14], $0x80, $0x38;
	[tilespmem:$0x18100] =	vst v63  }
0x17: {  	_ =	swait.ge @!p0 [sflag:s15], $0x80  }
0x18: {  	[sflag:s15] =	ssyncset.done @!p0 $0x0;
	p0 =	por p0, p0  }
0x19: {  	[sflag:s15] =	ssyncadd.s32 @!p0 $0xFFFFFF80;
	s16 =	simm.s32 @!p0 $0x80  }
0x1a: {  	[tilespmem:s16], [sflag:$0x3] =	stream.linear.gather @!p0 [hbm4b:s10+s14], $0x80, $0x38;
	[tilespmem:$0x18100] =	vst v63  }
0x1b: {  	_ =	swait.ge @!p0 [sflag:s15], $0x80  }
0x1c: {  	[sflag:s15] =	ssyncset.done @!p0 $0x0  }
0x1d: {  	s17 =	simm.s32 @!p0 $0x1;
	[sflag:s15] =	ssyncadd.s32 @!p0 $0xFFFFFF80;
	s15 =	simm.s32 @!p0 $0x100  }
0x1e: {  	[tilespmem:s15], [sflag:$0x1] =	stream.indirect.gather @!p0 [hbm4b:s4+s16], $0x80, s14, s16, $0xb8;
	[tilespmem:$0x18100] =	vst v63  }
0x1f: {  	_ =	swait.ge @!p0 [sflag:s17], $0x4000  }
0x20: {  	[sflag:s17] =	ssyncset.done @!p0 $0x0  }
0x21: {  	[sflag:s17] =	ssyncadd.s32 @!p0 $0xFFFFC000;
	s17 =	simm.s32 @!p0 $0x2  }
0x22: {  	[spmem:s2] =	stream.indirect.scatter.add.f32 @!p0 [tilespmem:s15], [sflag:$0x2], $0x80, s16, s16, $0xb8;
	[tilespmem:$0x18100] =	vst v63  }
0x23: {  	p2 =	sle.u32 s7, $0x1;
	s14 =	sadd.s32 $0x10, s10;
	_ =	swait.ge @!p0 [sflag:s17], $0x4000  }
0x24: {  	s16 =	simm.s32 $0x2;
	s15 =	sadd.s32 $0x10, s11;
	[sflag:s17] =	ssyncset.done @!p0 $0x0  }
.LBB2_2:
0x25: {  	s18 =	simm.s32 @!p2 $0x0;
	s19 =	simm.s32 @!p2 $0x3;
	[sflag:s17] =	ssyncadd.s32 @!p0 $0xFFFFC000  }
0x26: {  	[tilespmem:s18], [sflag:$0x3] =	stream.linear.gather @!p2 [hbm4b:s15+s18], $0x80, $0x38;
	[tilespmem:$0x18100] =	vst v63  }
0x27: {  	s20 =	smov.u32 s16;
	s16 =	sadd.s32 $0x1, s16;
	_ =	swait.ge @!p2 [sflag:s19], $0x80  }
0x28: {  	p0 =	por p2, p2;
	p1 =	sne.s32 s16, $0x62;
	[sflag:s19] =	ssyncset.done @!p2 $0x0  }
0x29: {  	s21 =	simm.s32 @!p0 $0x80;
	[sflag:s19] =	ssyncadd.s32 @!p0 $0xFFFFFF80  }
0x2a: {  	[tilespmem:s21], [sflag:$0x3] =	stream.linear.gather @!p0 [hbm4b:s14+s18], $0x80, $0x38;
	[tilespmem:$0x18100] =	vst v63  }
0x2b: {  	_ =	swait.ge @!p0 [sflag:s19], $0x80  }
0x2c: {  	[sflag:s19] =	ssyncset.done @!p0 $0x0  }
0x2d: {  	s17 =	simm.s32 @!p0 $0x1;
	[sflag:s19] =	ssyncadd.s32 @!p0 $0xFFFFFF80;
	s19 =	simm.s32 @!p0 $0x100  }
0x2e: {  	[tilespmem:s19], [sflag:$0x1] =	stream.indirect.gather @!p0 [hbm4b:s4+s21], $0x80, s18, s21, $0xb8;
	[tilespmem:$0x18100] =	vst v63  }
0x2f: {  	_ =	swait.ge @!p0 [sflag:s17], $0x4000  }
.Ltmp0:
0x30: {  	[sflag:s17] =	ssyncset.done @!p0 $0x0;
	(pc) =	sbr.rel @p1 .LBB2_2-.Ltmp0, $4  }
0x31: {  	[sflag:s17] =	ssyncadd.s32 @!p0 $0xFFFFC000;
	s17 =	simm.s32 @!p0 $0x2  }
0x32: {  	[spmem:s2] =	stream.indirect.scatter.add.f32 @!p0 [tilespmem:s19], [sflag:$0x2], $0x80, s21, s21, $0xb8;
	[tilespmem:$0x18100] =	vst v63  }
0x33: {  	s15 =	sadd.s32 $0x10, s15;
	_ =	swait.ge @!p0 [sflag:s17], $0x4000  }
0x34: {  	p2 =	sge.u32 s20, s7;
	s14 =	sadd.s32 $0x10, s14;
	[sflag:s17] =	ssyncset.done @!p0 $0x0  }
0x35: {  	s16 =	simm.s32 @!p2 $0x0;
	s18 =	simm.s32 @!p2 $0x3;
	[sflag:s17] =	ssyncadd.s32 @!p0 $0xFFFFC000  }
0x36: {  	[tilespmem:s16], [sflag:$0x3] =	stream.linear.gather @!p2 [hbm4b:s15+s16], $0x80, $0x38;
	[tilespmem:$0x18100] =	vst v63  }
0x37: {  	_ =	swait.ge @!p2 [sflag:s18], $0x80  }
0x38: {  	p0 =	por p2, p2;
	[sflag:s18] =	ssyncset.done @!p2 $0x0  }
0x39: {  	s15 =	simm.s32 @!p0 $0x80;
	[sflag:s18] =	ssyncadd.s32 @!p0 $0xFFFFFF80  }
0x3a: {  	[tilespmem:s15], [sflag:$0x3] =	stream.linear.gather @!p0 [hbm4b:s14+s16], $0x80, $0x38;
	[tilespmem:$0x18100] =	vst v63  }
0x3b: {  	_ =	swait.ge @!p0 [sflag:s18], $0x80  }
0x3c: {  	[sflag:s18] =	ssyncset.done @!p0 $0x0  }
0x3d: {  	s17 =	simm.s32 @!p0 $0x1;
	s14 =	simm.s32 @!p0 $0x100;
	[sflag:s18] =	ssyncadd.s32 @!p0 $0xFFFFFF80  }
0x3e: {  	[tilespmem:s14], [sflag:$0x1] =	stream.indirect.gather @!p0 [hbm4b:s4+s15], $0x80, s16, s15, $0xb8;
	[tilespmem:$0x18100] =	vst v63  }
0x3f: {  	_ =	swait.ge @!p0 [sflag:s17], $0x4000  }
0x40: {  	[sflag:s17] =	ssyncset.done @!p0 $0x0  }
0x41: {  	s16 =	simm.s32 @!p0 $0x2;
	[sflag:s17] =	ssyncadd.s32 @!p0 $0xFFFFC000  }
0x42: {  	[spmem:s2] =	stream.indirect.scatter.add.f32 @!p0 [tilespmem:s14], [sflag:$0x2], $0x80, s15, s15, $0xb8;
	[tilespmem:$0x18100] =	vst v63  }
0x43: {  	_ =	swait.ge @!p0 [sflag:s16], $0x4000  }
0x44: {  	s3 =	sadd.s32 $0x1, s3;
	[sflag:s16] =	ssyncset.done @!p0 $0x0  }
0x45: {  	[sflag:s16] =	ssyncadd.s32 @!p0 $0xFFFFC000;
	p0 =	sne.s32 s3, s9  }
.Ltmp1:
0x46: {  	[bflag:$0x0] =	sbarrier.arrive $0xFFFF;
	(pc) =	sbr.rel @p0 .LBB2_1-.Ltmp1, $4  }
0x47: {  	[hbm:s8], [sflag:s6] =	dma.local [spmem:s12], $0x2800  }
0x48: {  	_ =	swait.ge [sflag:s13], $0x2800  }
0x49: {  	[sflag:s13] =	ssyncset.done $0x0  }
0x4a: {  	[sflag:s13] =	ssyncadd.s32 $0xFFFFD800  }
0x4b: {  	_ =	sfence.sel $0x180000  }
0x4c: {  	[bflag:$0x0] =	sbarrier.arrive $0xFFFF  }
0x4d: {  	p0 =	sne.s32 s0, $0x0;
	_ =	strace $0x9000004D  }
0x4e: {  	s0 =	sadd.s32 @!p0 $0x100000, s1;
	[bflag:$0x2] =	sbarrier.arrive $0xFFFF  }
0x4f: {  	[sflag:s0] =	ssyncadd.tile.s32 @!p0 $0x1;
	_ =	shalt  }
.Lfunc_end2:
_tile_overlayer_lowered:
.L_overlay_start_2:
0x50: {  	(tag) =	ssettag $0x2  }
0x51: {  	s0 =	rddreg [dreg:$0x0];
	s2 =	stileid.u32  }
0x52: {  	s1 =	rddreg [dreg:$0x1];
	p0 =	sne.s32 s2, $0x0  }
0x53: {  	s3 =	rddreg [dreg:$0x2];
	[bflag:$0x3] =	sbarrier.arrive $0xFFFF;
	s2 =	simm.s32 @!p0 $0x1C02  }
0x54: {  	[timem:s3], [sflag:s2] =	dma.local @!p0 [hbm:s0], s1  }
0x55: {  	s0 =	simm.s32 @!p0 $0x2  }
0x56: {  	_ =	swait.ge @!p0 [sflag:s0], s1  }
0x57: {  	s1 =	ssub.s32 @!p0 $0x0, s1;
	[sflag:s0] =	ssyncset.done @!p0 $0x0  }
0x58: {  	[sflag:s0] =	ssyncadd.s32 @!p0 s1  }
0x59: {  	[bflag:$0x3] =	sbarrier.arrive $0xFFFF  }
0x5a: {  	_ =	shalt  }

// kernel: kernel.18.cloned.1.call-start
scs
__scs_entry_jumppad:
0x0: {  	(pc) =	sbr.rel $0x88, $3  }
0x1: {  	(tag) =	ssettag $0x0;
	lr =	simm.s32 $0x1  }
0x2: {  	[smem:$0x3F96] =	sst lr;
	_ =	strace $0xD0000000  }
0x3: {  	_ = 	snop  }
0x4: {  	_ = 	snop  }
0x5: {  	_ = 	snop  }
0x6: {  	_ = 	snop  }
0x7: {  	_ = 	snop  }
__scs_overlays_trampoline_lowered:
0x8: {  	[smem:$0x3FA5] =	sst s0  }
0x9: {  	[smem:$0x3FA6] =	sst s1  }
0xa: {  	[smem:$0x3FA7] =	sst s2  }
0xb: {  	[smem:$0x3FA8] =	sst s3  }
0xc: {  	[smem:$0x3FA9] =	sst s4  }
0xd: {  	[smem:$0x3FAA] =	sst s5  }
0xe: {  	[smem:$0x3FAB] =	sst s6  }
0xf: {  	[smem:$0x3FAC] =	sst s7  }
0x10: {  	[smem:$0x3FAD] =	sst s8  }
0x11: {  	[smem:$0x3FAE] =	sst s9;
	s0 =	simm.s32 @!p0 $0x0  }
0x12: {  	s1 =	sld [smem:$0x3F94];
	s0 =	simm.s32 @p0 $0x1  }
0x13: {  	[smem:$0x3FAF] =	sst s0;
	s0 =	simm.s32 @!p1 $0x0  }
0x14: {  	s2 =	sld [smem:$0x3F93];
	s0 =	simm.s32 @p1 $0x1  }
0x15: {  	[smem:$0x3FB0] =	sst s0;
	s0 =	simm.s32 @!p2 $0x0  }
0x16: {  	s3 =	sld [smem:$0x3FDB];
	s0 =	simm.s32 @p2 $0x1  }
0x17: {  	s4 =	simm.s32 $0x1BF5;
	[smem:$0x3FB2] =	sst s0  }
0x18: {  	s0 =	sld [smem:$0x3F95];
	_ =	swait.ge [sflag:s4], $0x0  }
0x19: {  	s7 =	sld [smem:$0x3F96]  }
0x1a: {  	s8 =	sadd.s32 $0xFFFFE003, lr  }
0x1b: {  	s9 =	sadd.s32 $0xFFFFFEF7, lr;
	s5 =	simm.s32 $0xFFFFFFFF;
	p2 =	slt.u32 s8, $0xFFFFF086  }
0x1c: {  	p1 =	slt.u32 s9, $0xF7A;
	s5 =	simm.s32 @!p2 $0x0  }
0x1d: {  	s5 =	simm.s32 @p1 $0x1;
	p0 =	seq.s32 s7, s2  }
0x1e: {  	s7 =	smul.u32 @!p0 $0xF7A, s2;
	p2 =	seq.s32 @!p0 s5, $0x0  }
0x1f: {  	s9 =	smul.u32 $0xF7A, s1;
	s8 =	simm.s32 @!p0 $0x1BF5;
	p2 =	por !p2, p0  }
0x20: {  	[sflag:s8] =	ssyncset.s32 @!p0 $0xFFFFF086;
	s6 =	sadd.s32 @!p0 s3, s7;
	s7 =	simm.s32 @!p0 $0x108  }
0x21: {  	s3 =	sadd.s32 s3, s9;
	s6 =	sadd.s32 @!p0 $0x88, s6;
	s7 =	simm.s32 @p2 $0x1082  }
0x22: {  	[simem:s7], [sflag:s8] =	dma.local @!p0 [hbm:s6], $0xF7A  }
0x23: {  	s9 =	sor.u32 $0xD0000000, s2;
	s6 =	simm.s32 $0x108;
	_ =	swait.ge @!p0 [sflag:s8], $0x0  }
0x24: {  	s3 =	sadd.s32 $0x88, s3;
	s6 =	simm.s32 @!p1 $0x1082;
	[sflag:s4] =	ssyncset.s32 $0xFFFFF086  }
0x25: {  	[simem:s6], [sflag:s4] =	dma.local [hbm:s3], $0xF7A  }
0x26: {  	[smem:$0x3F96] =	sst s1;
	(tag) =	ssettag s2;
	_ =	strace s9  }
0x27: {  	s1 =	sld [smem:$0x3FA6]  }
0x28: {  	s2 =	sld [smem:$0x3FA7]  }
0x29: {  	s4 =	sld [smem:$0x3FA9]  }
0x2a: {  	p0 =	seq.s32 s5, $0x0;
	s5 =	sld [smem:$0x3FAA]  }
0x2b: {  	s6 =	sld [smem:$0x3FAB]  }
0x2c: {  	s7 =	sld [smem:$0x3FAC]  }
0x2d: {  	s3 =	simm.s32 $0x108;
	s8 =	sld [smem:$0x3FAD]  }
0x2e: {  	s3 =	simm.s32 @!p0 $0x1082;
	s9 =	sld [smem:$0x3FAE]  }
0x2f: {  	lr =	sadd.s32 s0, s3;
	s0 =	sld [smem:$0x3FA5]  }
0x30: {  	s3 =	sld [smem:$0x3FA8]  }
0x31: {  	[smem:$0x3FB1] =	sst s10  }
0x32: {  	s10 =	sld [smem:$0x3FAF];
	_ =	sdelay $0x3  }
0x33: {  	p0 =	seq.s32 s10, $0x1;
	s10 =	sld [smem:$0x3FB1];
	_ =	sdelay $0x3  }
0x34: {  	[smem:$0x3FB1] =	sst s10  }
0x35: {  	s10 =	sld [smem:$0x3FB0];
	_ =	sdelay $0x3  }
0x36: {  	p1 =	seq.s32 s10, $0x1;
	s10 =	sld [smem:$0x3FB1];
	_ =	sdelay $0x3  }
0x37: {  	[smem:$0x3FB1] =	sst s10  }
0x38: {  	s10 =	sld [smem:$0x3FB2]  }
0x39: {  	_ = 	snop;
	(pc) =	sbr.ind lr, $3  }
0x3a: {  	_ = 	snop  }
0x3b: {  	_ = 	snop  }
0x3c: {  	p2 =	seq.s32 s10, $0x1;
	s10 =	sld [smem:$0x3FB1]  }
0x3d: {  	_ =	shalt  }
0x3e: {  	_ =	shalt  }
0x3f: {  	_ =	shalt  }
0x40: {  	_ =	shalt  }
0x41: {  	_ =	shalt  }
0x42: {  	_ =	shalt  }
0x43: {  	_ =	shalt  }
0x44: {  	_ =	shalt  }
0x45: {  	_ =	shalt  }
0x46: {  	_ =	shalt  }
0x47: {  	_ =	shalt  }
0x48: {  	_ =	shalt  }
0x49: {  	_ =	shalt  }
0x4a: {  	_ =	shalt  }
0x4b: {  	_ =	shalt  }
0x4c: {  	_ =	shalt  }
0x4d: {  	_ =	shalt  }
0x4e: {  	_ =	shalt  }
0x4f: {  	_ =	shalt  }
0x50: {  	_ =	shalt  }
0x51: {  	_ =	shalt  }
0x52: {  	_ =	shalt  }
0x53: {  	_ =	shalt  }
0x54: {  	_ =	shalt  }
0x55: {  	_ =	shalt  }
0x56: {  	_ =	shalt  }
0x57: {  	_ =	shalt  }
0x58: {  	_ =	shalt  }
0x59: {  	_ =	shalt  }
0x5a: {  	_ =	shalt  }
0x5b: {  	_ =	shalt  }
0x5c: {  	_ =	shalt  }
0x5d: {  	_ =	shalt  }
0x5e: {  	_ =	shalt  }
0x5f: {  	_ =	shalt  }
0x60: {  	_ =	shalt  }
0x61: {  	_ =	shalt  }
0x62: {  	_ =	shalt  }
0x63: {  	_ =	shalt  }
0x64: {  	_ =	shalt  }
0x65: {  	_ =	shalt  }
0x66: {  	_ =	shalt  }
0x67: {  	_ =	shalt  }
0x68: {  	_ =	shalt  }
0x69: {  	_ =	shalt  }
0x6a: {  	_ =	shalt  }
0x6b: {  	_ =	shalt  }
0x6c: {  	_ =	shalt  }
0x6d: {  	_ =	shalt  }
0x6e: {  	_ =	shalt  }
0x6f: {  	_ =	shalt  }
0x70: {  	_ =	shalt  }
0x71: {  	_ =	shalt  }
0x72: {  	_ =	shalt  }
0x73: {  	_ =	shalt  }
0x74: {  	_ =	shalt  }
0x75: {  	_ =	shalt  }
0x76: {  	_ =	shalt  }
0x77: {  	_ =	shalt  }
0x78: {  	_ =	shalt  }
0x79: {  	_ =	shalt  }
0x7a: {  	_ =	shalt  }
0x7b: {  	_ =	shalt  }
0x7c: {  	_ =	shalt  }
0x7d: {  	_ =	shalt  }
0x7e: {  	_ =	shalt  }
0x7f: {  	_ =	shalt  }
0x80: {  	_ =	shalt  }
0x81: {  	_ =	shalt  }
0x82: {  	_ =	shalt  }
0x83: {  	_ =	shalt  }
0x84: {  	_ =	shalt  }
0x85: {  	_ =	shalt  }
0x86: {  	_ =	shalt  }
0x87: {  	_ =	shalt  }
.Lfunc_end0:
.L_simem_size_0:
called_computation.3_lowered:
.L_overlay_start_0:
0x88: {  	s2 =	sld [smem:$0x3FD9]  }
0x89: {  	s3 =	sld [smem:$0x3FFE];
	_ =	sdelay $0x1  }
0x8a: {  	s1 =	srdreg.scid  }
0x8b: {  	s0 =	sand.u32 $0x1, s1  }
0x8c: {  	s17 =	sshll.u32 s0, $0xA;
	s2 =	sadd.s32 s3, s2  }
0x8d: {  	s2 =	sadd.s32 s2, s17  }
0x8e: {  	[smem:$0x3FBD] =	sst s2  }
0x8f: {  	_ = 	snop  }
0x90: {  	s2 =	sld [smem:$0x3FD0];
	(tm) =	ssettm $0x1  }
0x91: {  	s18 =	sld [smem:$0x3FFB];
	_ =	sdelay $0x3  }
0x92: {  	_ =	strace s18  }
0x93: {  	s3 =	sld [smem:$0x3FFC];
	_ =	sdelay $0x3  }
0x94: {  	_ =	strace s3  }
0x95: {  	s3 =	sld [smem:$0x3FFD];
	_ =	sdelay $0x3  }
0x96: {  	_ =	strace s3  }
0x97: {  	_ =	strace $0x8FFFFFFF  }
0x98: {  	s19 =	sld [smem:$0x3FDB];
	_ =	sdelay $0x1  }
0x99: {  	s4 =	simm.s32 $_scs_section_size  }
0x9a: {  	s5 =	simm.s32 $_size__tile_overlayer_lowered;
	s6 =	simm.s32 $_tile_overlayer_lowered  }
0x9b: {  	s22 =	simm.s32 $0x1BFF;
	s21 =	sshll.u32 s6, $0x1;
	s3 =	sadd.s32 s4, s19  }
0x9c: {  	s7 =	simm.s32 $0x0;
	s20 =	sshll.u32 s5, $0x1;
	s5 =	sadd.s32 s21, s3  }
0x9d: {  	[timem:s7], [sflag:s22] =	dma.local [hbm:s5], s20  }
0x9e: {  	_ =	swait.ge [sflag:s22], s20  }
0x9f: {  	s4 =	ssub.s32 $0x0, s20;
	[sflag:s22] =	ssyncset.done $0x0  }
0xa0: {  	[sflag:s22] =	ssyncadd.s32 s4;
	_ =	sdelay $0x1  }
0xa1: {  	s23 =	simm.s32 $0x1B8B  }
0xa2: {  	_ =	swait.ge [sflag:s23], $0x1  }
0xa3: {  	[sflag:s23] =	ssyncset.done $0x0  }
0xa4: {  	s25 =	simm.s32 $0x1B8E;
	s24 =	sld [smem:$0x3FFE];
	[sflag:s23] =	ssyncadd.s32 $0xFFFFFFFF  }
0xa5: {  	s26 =	simm.s32 $execute0_lowered;
	[smem:$0x3FD2] =	sst s25  }
0xa6: {  	s5 =	sshll.u32 s26, $0x1;
	_ =	strace $0x8000004F;
	[dreg:$0x1] =	wrdreg $0xFFFFFFFF  }
0xa7: {  	s28 =	simm.s32 $_size_execute0_lowered;
	s3 =	sadd.s32 s3, s5;
	[dreg:$0x0] =	wrdreg $0x0  }
0xa8: {  	s5 =	sshll.u32 s28, $0x1;
	[dreg:$0x2] =	wrdreg s3  }
0xa9: {  	[dreg:$0x3] =	wrdreg s5  }
0xaa: {  	[dreg:$0x4] =	wrdreg $0xC0  }
0xab: {  	_ =	task [dreg:s7], $0x5FFFF  }
0xac: {  	[dreg:$0x1] =	wrdreg $0xFFFFFFFF  }
0xad: {  	[dreg:$0x0] =	wrdreg $0x60  }
0xae: {  	[dreg:$0x2] =	wrdreg s24  }
0xaf: {  	[dreg:$0x3] =	wrdreg s2  }
0xb0: {  	[dreg:$0x4] =	wrdreg $0x41000  }
0xb1: {  	[dreg:$0x5] =	wrdreg $0x9  }
0xb2: {  	_ =	task.clear_ibuf [dreg:s7], $0x6FFFF;
	_ =	strace $0x9000004F  }
0xb3: {  	s29 =	simm.s32 $0x9;
	_ =	strace $0x80000051  }
0xb4: {  	_ =	swait.ge [sflag:s29], $0x1  }
0xb5: {  	[sflag:s29] =	ssyncadd.s32 $0xFFFFFFFF  }
0xb6: {  	_ =	strace $0x90000051  }
0xb7: {  	_ =	sfence  }
0xb8: {  	s30 =	sld [smem:$0x0];
	_ =	sdelay $0x2  }
0xb9: {  	s31 =	sshll.u32 s1, $0xD;
	s1 =	sshrl.u32 s1, $0x2  }
0xba: {  	s3 =	sand.u32 $0x4000, s31;
	s1 =	sadd.s32 s1, s30  }
0xbb: {  	s0 =	sor.u32 s3, s0;
	s1 =	sshll.u32 s1, $0x11  }
0xbc: {  	s0 =	sor.u32 s1, s0  }
0xbd: {  	s0 =	sadd.s32 $0x8F2B, s0  }
0xbe: {  	[sflag:s0] =	ssyncadd.remote.s32 $0x1  }
0xbf: {  	_ =	sfence.sel $0xFFFF  }
0xc0: {  	[dreg:$0x0] =	wrdreg $0xFFFFFFFF;
	(pc) =	sbr.abs _section_cstart, $3  }
0xc1: {  	[dreg:$0x1] =	wrdreg $0xFFFFFFFF  }
0xc2: {  	_ =	task.clear_ibuf [dreg:s7], $0x2FFFF;
	_ =	strace $0x9FFFFFFF  }
0xc3: {  	(tm) =	ssettm $0x7FFFFFFF  }
tec
execute0_lowered:
.L_overlay_start_1:
0x0: {  	(tag) =	ssettag $0x1  }
0x1: {  	s0 =	srdreg.scid  }
0x2: {  	s6 =	sand.u32 $0x1, s0  }
0x3: {  	s7 =	rddreg [dreg:$0x0];
	s1 =	smul.u32 $0x1300, s6  }
0x4: {  	s11 =	rddreg [dreg:$0x1];
	s4 =	smul.u32 $0x1E000, s6  }
0x5: {  	s0 =	stileid.u32;
	s8 =	smul.u32 $0x140000, s6  }
0x6: {  	s2 =	rddreg [dreg:$0x2];
	s3 =	simm.s32 $0x0;
	s9 =	smul.u32 $0x14000, s0  }
0x7: {  	[smem:$0x7FF] =	sst s3;
	s13 =	smul.u32 $0x50000, s0  }
0x8: {  	s28 =	ssub.s32 $0x2, s6;
	s14 =	smul.u32 $0x26, s6;
	s31 =	sshll.u32 s0, $0x6  }
0x9: {  	s29 =	sshrl.u32 s28, $0x1;
	s6 =	sor.u32 $0x1C02, s31;
	s1 =	sadd.s32 $0x1E00, s1  }
0xa: {  	s8 =	sadd.s32 s9, s8;
	s9 =	ssub.s32 s28, s29;
	s30 =	sshrl.u32 s13, $0x2  }
0xb: {  	s5 =	smul.u32 s0, s1;
	s1 =	rddreg [dreg:$0x3];
	_ =	strace $0x80000050  }
0xc: {  	s8 =	sshrl.u32 s8, $0x3;
	s13 =	sadd.s32 s30, s2;
	s9 =	smax.u32 s9, $0x1  }
0xd: {  	s8 =	sadd.s32 s8, s7;
	s5 =	sadd.s32 s4, s5;
	s4 =	sadd.s32 $0xD000, s7  }
0xe: {  	s8 =	sadd.s32 $0x37800, s8;
	s12 =	sshrl.u32 s5, $0x3;
	s5 =	sadd.s32 $0x35000, s7  }
0xf: {  	s10 =	sadd.s32 s12, s7;
	s7 =	sadd.s32 $0x3C, s14;
	s11 =	sadd.s32 s12, s11  }
0x10: {  	s12 =	sshrl.u32 s13, $0x3;
	s13 =	simm.s32 $0x2;
	s10 =	sadd.s32 $0x3200, s10  }
.LBB2_1:
0x11: {  	[spmem:s12], [sflag:s6] =	dma.local [hbm:s5], $0x2800  }
0x12: {  	_ =	swait.ge [sflag:s13], $0x2800  }
0x13: {  	[sflag:s13] =	ssyncset.done $0x0  }
0x14: {  	p0 =	sle.u32 s7, $0x0;
	[sflag:s13] =	ssyncadd.s32 $0xFFFFD800  }
0x15: {  	s14 =	simm.s32 @!p0 $0x0;
	s15 =	simm.s32 @!p0 $0x3;
	[bflag:$0x0] =	sbarrier.arrive $0xFFFF  }
0x16: {  	[tilespmem:s14], [sflag:$0x3] =	stream.linear.gather @!p0 [hbm4b:s11+s14], $0x80, $0x38;
	[tilespmem:$0x18100] =	vst v63  }
0x17: {  	_ =	swait.ge @!p0 [sflag:s15], $0x80  }
0x18: {  	[sflag:s15] =	ssyncset.done @!p0 $0x0;
	p0 =	por p0, p0  }
0x19: {  	[sflag:s15] =	ssyncadd.s32 @!p0 $0xFFFFFF80;
	s16 =	simm.s32 @!p0 $0x80  }
0x1a: {  	[tilespmem:s16], [sflag:$0x3] =	stream.linear.gather @!p0 [hbm4b:s10+s14], $0x80, $0x38;
	[tilespmem:$0x18100] =	vst v63  }
0x1b: {  	_ =	swait.ge @!p0 [sflag:s15], $0x80  }
0x1c: {  	[sflag:s15] =	ssyncset.done @!p0 $0x0  }
0x1d: {  	s17 =	simm.s32 @!p0 $0x1;
	[sflag:s15] =	ssyncadd.s32 @!p0 $0xFFFFFF80;
	s15 =	simm.s32 @!p0 $0x100  }
0x1e: {  	[tilespmem:s15], [sflag:$0x1] =	stream.indirect.gather @!p0 [hbm4b:s4+s16], $0x80, s14, s16, $0xb8;
	[tilespmem:$0x18100] =	vst v63  }
0x1f: {  	_ =	swait.ge @!p0 [sflag:s17], $0x4000  }
0x20: {  	[sflag:s17] =	ssyncset.done @!p0 $0x0  }
0x21: {  	[sflag:s17] =	ssyncadd.s32 @!p0 $0xFFFFC000;
	s17 =	simm.s32 @!p0 $0x2  }
0x22: {  	[spmem:s2] =	stream.indirect.scatter.add.f32 @!p0 [tilespmem:s15], [sflag:$0x2], $0x80, s16, s16, $0xb8;
	[tilespmem:$0x18100] =	vst v63  }
0x23: {  	p2 =	sle.u32 s7, $0x1;
	s14 =	sadd.s32 $0x10, s10;
	_ =	swait.ge @!p0 [sflag:s17], $0x4000  }
0x24: {  	s16 =	simm.s32 $0x2;
	s15 =	sadd.s32 $0x10, s11;
	[sflag:s17] =	ssyncset.done @!p0 $0x0  }
.LBB2_2:
0x25: {  	s18 =	simm.s32 @!p2 $0x0;
	s19 =	simm.s32 @!p2 $0x3;
	[sflag:s17] =	ssyncadd.s32 @!p0 $0xFFFFC000  }
0x26: {  	[tilespmem:s18], [sflag:$0x3] =	stream.linear.gather @!p2 [hbm4b:s15+s18], $0x80, $0x38;
	[tilespmem:$0x18100] =	vst v63  }
0x27: {  	s20 =	smov.u32 s16;
	s16 =	sadd.s32 $0x1, s16;
	_ =	swait.ge @!p2 [sflag:s19], $0x80  }
0x28: {  	p0 =	por p2, p2;
	p1 =	sne.s32 s16, $0x62;
	[sflag:s19] =	ssyncset.done @!p2 $0x0  }
0x29: {  	s21 =	simm.s32 @!p0 $0x80;
	[sflag:s19] =	ssyncadd.s32 @!p0 $0xFFFFFF80  }
0x2a: {  	[tilespmem:s21], [sflag:$0x3] =	stream.linear.gather @!p0 [hbm4b:s14+s18], $0x80, $0x38;
	[tilespmem:$0x18100] =	vst v63  }
0x2b: {  	_ =	swait.ge @!p0 [sflag:s19], $0x80  }
0x2c: {  	[sflag:s19] =	ssyncset.done @!p0 $0x0  }
0x2d: {  	s17 =	simm.s32 @!p0 $0x1;
	[sflag:s19] =	ssyncadd.s32 @!p0 $0xFFFFFF80;
	s19 =	simm.s32 @!p0 $0x100  }
0x2e: {  	[tilespmem:s19], [sflag:$0x1] =	stream.indirect.gather @!p0 [hbm4b:s4+s21], $0x80, s18, s21, $0xb8;
	[tilespmem:$0x18100] =	vst v63  }
0x2f: {  	_ =	swait.ge @!p0 [sflag:s17], $0x4000  }
.Ltmp0:
0x30: {  	[sflag:s17] =	ssyncset.done @!p0 $0x0;
	(pc) =	sbr.rel @p1 .LBB2_2-.Ltmp0, $4  }
0x31: {  	[sflag:s17] =	ssyncadd.s32 @!p0 $0xFFFFC000;
	s17 =	simm.s32 @!p0 $0x2  }
0x32: {  	[spmem:s2] =	stream.indirect.scatter.add.f32 @!p0 [tilespmem:s19], [sflag:$0x2], $0x80, s21, s21, $0xb8;
	[tilespmem:$0x18100] =	vst v63  }
0x33: {  	s15 =	sadd.s32 $0x10, s15;
	_ =	swait.ge @!p0 [sflag:s17], $0x4000  }
0x34: {  	p2 =	sge.u32 s20, s7;
	s14 =	sadd.s32 $0x10, s14;
	[sflag:s17] =	ssyncset.done @!p0 $0x0  }
0x35: {  	s16 =	simm.s32 @!p2 $0x0;
	s18 =	simm.s32 @!p2 $0x3;
	[sflag:s17] =	ssyncadd.s32 @!p0 $0xFFFFC000  }
0x36: {  	[tilespmem:s16], [sflag:$0x3] =	stream.linear.gather @!p2 [hbm4b:s15+s16], $0x80, $0x38;
	[tilespmem:$0x18100] =	vst v63  }
0x37: {  	_ =	swait.ge @!p2 [sflag:s18], $0x80  }
0x38: {  	p0 =	por p2, p2;
	[sflag:s18] =	ssyncset.done @!p2 $0x0  }
0x39: {  	s15 =	simm.s32 @!p0 $0x80;
	[sflag:s18] =	ssyncadd.s32 @!p0 $0xFFFFFF80  }
0x3a: {  	[tilespmem:s15], [sflag:$0x3] =	stream.linear.gather @!p0 [hbm4b:s14+s16], $0x80, $0x38;
	[tilespmem:$0x18100] =	vst v63  }
0x3b: {  	_ =	swait.ge @!p0 [sflag:s18], $0x80  }
0x3c: {  	[sflag:s18] =	ssyncset.done @!p0 $0x0  }
0x3d: {  	s17 =	simm.s32 @!p0 $0x1;
	s14 =	simm.s32 @!p0 $0x100;
	[sflag:s18] =	ssyncadd.s32 @!p0 $0xFFFFFF80  }
0x3e: {  	[tilespmem:s14], [sflag:$0x1] =	stream.indirect.gather @!p0 [hbm4b:s4+s15], $0x80, s16, s15, $0xb8;
	[tilespmem:$0x18100] =	vst v63  }
0x3f: {  	_ =	swait.ge @!p0 [sflag:s17], $0x4000  }
0x40: {  	[sflag:s17] =	ssyncset.done @!p0 $0x0  }
0x41: {  	s16 =	simm.s32 @!p0 $0x2;
	[sflag:s17] =	ssyncadd.s32 @!p0 $0xFFFFC000  }
0x42: {  	[spmem:s2] =	stream.indirect.scatter.add.f32 @!p0 [tilespmem:s14], [sflag:$0x2], $0x80, s15, s15, $0xb8;
	[tilespmem:$0x18100] =	vst v63  }
0x43: {  	_ =	swait.ge @!p0 [sflag:s16], $0x4000  }
0x44: {  	s3 =	sadd.s32 $0x1, s3;
	[sflag:s16] =	ssyncset.done @!p0 $0x0  }
0x45: {  	[sflag:s16] =	ssyncadd.s32 @!p0 $0xFFFFC000;
	p0 =	sne.s32 s3, s9  }
.Ltmp1:
0x46: {  	[bflag:$0x0] =	sbarrier.arrive $0xFFFF;
	(pc) =	sbr.rel @p0 .LBB2_1-.Ltmp1, $4  }
0x47: {  	[hbm:s8], [sflag:s6] =	dma.local [spmem:s12], $0x2800  }
0x48: {  	_ =	swait.ge [sflag:s13], $0x2800  }
0x49: {  	[sflag:s13] =	ssyncset.done $0x0  }
0x4a: {  	[sflag:s13] =	ssyncadd.s32 $0xFFFFD800  }
0x4b: {  	_ =	sfence.sel $0x180000  }
0x4c: {  	[bflag:$0x0] =	sbarrier.arrive $0xFFFF  }
0x4d: {  	p0 =	sne.s32 s0, $0x0;
	_ =	strace $0x90000050  }
0x4e: {  	s0 =	sadd.s32 @!p0 $0x100000, s1;
	[bflag:$0x2] =	sbarrier.arrive $0xFFFF  }
0x4f: {  	[sflag:s0] =	ssyncadd.tile.s32 @!p0 $0x1;
	_ =	shalt  }
.Lfunc_end2:
_tile_overlayer_lowered:
.L_overlay_start_2:
0x50: {  	(tag) =	ssettag $0x2  }
0x51: {  	s0 =	rddreg [dreg:$0x0];
	s2 =	stileid.u32  }
0x52: {  	s1 =	rddreg [dreg:$0x1];
	p0 =	sne.s32 s2, $0x0  }
0x53: {  	s3 =	rddreg [dreg:$0x2];
	[bflag:$0x3] =	sbarrier.arrive $0xFFFF;
	s2 =	simm.s32 @!p0 $0x1C02  }
0x54: {  	[timem:s3], [sflag:s2] =	dma.local @!p0 [hbm:s0], s1  }
0x55: {  	s0 =	simm.s32 @!p0 $0x2  }
0x56: {  	_ =	swait.ge @!p0 [sflag:s0], s1  }
0x57: {  	s1 =	ssub.s32 @!p0 $0x0, s1;
	[sflag:s0] =	ssyncset.done @!p0 $0x0  }
0x58: {  	[sflag:s0] =	ssyncadd.s32 @!p0 s1  }
0x59: {  	[bflag:$0x3] =	sbarrier.arrive $0xFFFF  }
0x5a: {  	_ =	shalt  }

// kernel: kernel.9.cloned.1.call-start
scs
__scs_entry_jumppad:
0x0: {  	(pc) =	sbr.rel $0x88, $3  }
0x1: {  	(tag) =	ssettag $0x0;
	lr =	simm.s32 $0x1  }
0x2: {  	[smem:$0x3F96] =	sst lr;
	_ =	strace $0xD0000000  }
0x3: {  	_ = 	snop  }
0x4: {  	_ = 	snop  }
0x5: {  	_ = 	snop  }
0x6: {  	_ = 	snop  }
0x7: {  	_ = 	snop  }
__scs_overlays_trampoline_lowered:
0x8: {  	[smem:$0x3FA5] =	sst s0  }
0x9: {  	[smem:$0x3FA6] =	sst s1  }
0xa: {  	[smem:$0x3FA7] =	sst s2  }
0xb: {  	[smem:$0x3FA8] =	sst s3  }
0xc: {  	[smem:$0x3FA9] =	sst s4  }
0xd: {  	[smem:$0x3FAA] =	sst s5  }
0xe: {  	[smem:$0x3FAB] =	sst s6  }
0xf: {  	[smem:$0x3FAC] =	sst s7  }
0x10: {  	[smem:$0x3FAD] =	sst s8  }
0x11: {  	[smem:$0x3FAE] =	sst s9;
	s0 =	simm.s32 @!p0 $0x0  }
0x12: {  	s1 =	sld [smem:$0x3F94];
	s0 =	simm.s32 @p0 $0x1  }
0x13: {  	[smem:$0x3FAF] =	sst s0;
	s0 =	simm.s32 @!p1 $0x0  }
0x14: {  	s2 =	sld [smem:$0x3F93];
	s0 =	simm.s32 @p1 $0x1  }
0x15: {  	[smem:$0x3FB0] =	sst s0;
	s0 =	simm.s32 @!p2 $0x0  }
0x16: {  	s3 =	sld [smem:$0x3FDB];
	s0 =	simm.s32 @p2 $0x1  }
0x17: {  	s4 =	simm.s32 $0x1BF5;
	[smem:$0x3FB2] =	sst s0  }
0x18: {  	s0 =	sld [smem:$0x3F95];
	_ =	swait.ge [sflag:s4], $0x0  }
0x19: {  	s7 =	sld [smem:$0x3F96]  }
0x1a: {  	s8 =	sadd.s32 $0xFFFFE003, lr  }
0x1b: {  	s9 =	sadd.s32 $0xFFFFFEF7, lr;
	s5 =	simm.s32 $0xFFFFFFFF;
	p2 =	slt.u32 s8, $0xFFFFF086  }
0x1c: {  	p1 =	slt.u32 s9, $0xF7A;
	s5 =	simm.s32 @!p2 $0x0  }
0x1d: {  	s5 =	simm.s32 @p1 $0x1;
	p0 =	seq.s32 s7, s2  }
0x1e: {  	s7 =	smul.u32 @!p0 $0xF7A, s2;
	p2 =	seq.s32 @!p0 s5, $0x0  }
0x1f: {  	s9 =	smul.u32 $0xF7A, s1;
	s8 =	simm.s32 @!p0 $0x1BF5;
	p2 =	por !p2, p0  }
0x20: {  	[sflag:s8] =	ssyncset.s32 @!p0 $0xFFFFF086;
	s6 =	sadd.s32 @!p0 s3, s7;
	s7 =	simm.s32 @!p0 $0x108  }
0x21: {  	s3 =	sadd.s32 s3, s9;
	s6 =	sadd.s32 @!p0 $0x88, s6;
	s7 =	simm.s32 @p2 $0x1082  }
0x22: {  	[simem:s7], [sflag:s8] =	dma.local @!p0 [hbm:s6], $0xF7A  }
0x23: {  	s9 =	sor.u32 $0xD0000000, s2;
	s6 =	simm.s32 $0x108;
	_ =	swait.ge @!p0 [sflag:s8], $0x0  }
0x24: {  	s3 =	sadd.s32 $0x88, s3;
	s6 =	simm.s32 @!p1 $0x1082;
	[sflag:s4] =	ssyncset.s32 $0xFFFFF086  }
0x25: {  	[simem:s6], [sflag:s4] =	dma.local [hbm:s3], $0xF7A  }
0x26: {  	[smem:$0x3F96] =	sst s1;
	(tag) =	ssettag s2;
	_ =	strace s9  }
0x27: {  	s1 =	sld [smem:$0x3FA6]  }
0x28: {  	s2 =	sld [smem:$0x3FA7]  }
0x29: {  	s4 =	sld [smem:$0x3FA9]  }
0x2a: {  	p0 =	seq.s32 s5, $0x0;
	s5 =	sld [smem:$0x3FAA]  }
0x2b: {  	s6 =	sld [smem:$0x3FAB]  }
0x2c: {  	s7 =	sld [smem:$0x3FAC]  }
0x2d: {  	s3 =	simm.s32 $0x108;
	s8 =	sld [smem:$0x3FAD]  }
0x2e: {  	s3 =	simm.s32 @!p0 $0x1082;
	s9 =	sld [smem:$0x3FAE]  }
0x2f: {  	lr =	sadd.s32 s0, s3;
	s0 =	sld [smem:$0x3FA5]  }
0x30: {  	s3 =	sld [smem:$0x3FA8]  }
0x31: {  	[smem:$0x3FB1] =	sst s10  }
0x32: {  	s10 =	sld [smem:$0x3FAF];
	_ =	sdelay $0x3  }
0x33: {  	p0 =	seq.s32 s10, $0x1;
	s10 =	sld [smem:$0x3FB1];
	_ =	sdelay $0x3  }
0x34: {  	[smem:$0x3FB1] =	sst s10  }
0x35: {  	s10 =	sld [smem:$0x3FB0];
	_ =	sdelay $0x3  }
0x36: {  	p1 =	seq.s32 s10, $0x1;
	s10 =	sld [smem:$0x3FB1];
	_ =	sdelay $0x3  }
0x37: {  	[smem:$0x3FB1] =	sst s10  }
0x38: {  	s10 =	sld [smem:$0x3FB2]  }
0x39: {  	_ = 	snop;
	(pc) =	sbr.ind lr, $3  }
0x3a: {  	_ = 	snop  }
0x3b: {  	_ = 	snop  }
0x3c: {  	p2 =	seq.s32 s10, $0x1;
	s10 =	sld [smem:$0x3FB1]  }
0x3d: {  	_ =	shalt  }
0x3e: {  	_ =	shalt  }
0x3f: {  	_ =	shalt  }
0x40: {  	_ =	shalt  }
0x41: {  	_ =	shalt  }
0x42: {  	_ =	shalt  }
0x43: {  	_ =	shalt  }
0x44: {  	_ =	shalt  }
0x45: {  	_ =	shalt  }
0x46: {  	_ =	shalt  }
0x47: {  	_ =	shalt  }
0x48: {  	_ =	shalt  }
0x49: {  	_ =	shalt  }
0x4a: {  	_ =	shalt  }
0x4b: {  	_ =	shalt  }
0x4c: {  	_ =	shalt  }
0x4d: {  	_ =	shalt  }
0x4e: {  	_ =	shalt  }
0x4f: {  	_ =	shalt  }
0x50: {  	_ =	shalt  }
0x51: {  	_ =	shalt  }
0x52: {  	_ =	shalt  }
0x53: {  	_ =	shalt  }
0x54: {  	_ =	shalt  }
0x55: {  	_ =	shalt  }
0x56: {  	_ =	shalt  }
0x57: {  	_ =	shalt  }
0x58: {  	_ =	shalt  }
0x59: {  	_ =	shalt  }
0x5a: {  	_ =	shalt  }
0x5b: {  	_ =	shalt  }
0x5c: {  	_ =	shalt  }
0x5d: {  	_ =	shalt  }
0x5e: {  	_ =	shalt  }
0x5f: {  	_ =	shalt  }
0x60: {  	_ =	shalt  }
0x61: {  	_ =	shalt  }
0x62: {  	_ =	shalt  }
0x63: {  	_ =	shalt  }
0x64: {  	_ =	shalt  }
0x65: {  	_ =	shalt  }
0x66: {  	_ =	shalt  }
0x67: {  	_ =	shalt  }
0x68: {  	_ =	shalt  }
0x69: {  	_ =	shalt  }
0x6a: {  	_ =	shalt  }
0x6b: {  	_ =	shalt  }
0x6c: {  	_ =	shalt  }
0x6d: {  	_ =	shalt  }
0x6e: {  	_ =	shalt  }
0x6f: {  	_ =	shalt  }
0x70: {  	_ =	shalt  }
0x71: {  	_ =	shalt  }
0x72: {  	_ =	shalt  }
0x73: {  	_ =	shalt  }
0x74: {  	_ =	shalt  }
0x75: {  	_ =	shalt  }
0x76: {  	_ =	shalt  }
0x77: {  	_ =	shalt  }
0x78: {  	_ =	shalt  }
0x79: {  	_ =	shalt  }
0x7a: {  	_ =	shalt  }
0x7b: {  	_ =	shalt  }
0x7c: {  	_ =	shalt  }
0x7d: {  	_ =	shalt  }
0x7e: {  	_ =	shalt  }
0x7f: {  	_ =	shalt  }
0x80: {  	_ =	shalt  }
0x81: {  	_ =	shalt  }
0x82: {  	_ =	shalt  }
0x83: {  	_ =	shalt  }
0x84: {  	_ =	shalt  }
0x85: {  	_ =	shalt  }
0x86: {  	_ =	shalt  }
0x87: {  	_ =	shalt  }
.Lfunc_end0:
.L_simem_size_0:
called_computation_lowered:
.L_overlay_start_0:
0x88: {  	s2 =	sld [smem:$0x3FD9]  }
0x89: {  	s3 =	sld [smem:$0x3FFE];
	_ =	sdelay $0x1  }
0x8a: {  	s1 =	srdreg.scid  }
0x8b: {  	s0 =	sand.u32 $0x1, s1  }
0x8c: {  	s17 =	sshll.u32 s0, $0xA;
	s2 =	sadd.s32 s3, s2  }
0x8d: {  	s2 =	sadd.s32 s2, s17  }
0x8e: {  	[smem:$0x3FBD] =	sst s2  }
0x8f: {  	_ = 	snop  }
0x90: {  	(tm) =	ssettm $0x1  }
0x91: {  	s18 =	sld [smem:$0x3FFB];
	_ =	sdelay $0x3  }
0x92: {  	_ =	strace s18  }
0x93: {  	s2 =	sld [smem:$0x3FFC];
	_ =	sdelay $0x3  }
0x94: {  	_ =	strace s2  }
0x95: {  	s2 =	sld [smem:$0x3FFD];
	_ =	sdelay $0x3  }
0x96: {  	_ =	strace s2  }
0x97: {  	_ =	strace $0x8FFFFFFF  }
0x98: {  	s19 =	sld [smem:$0x3FDB];
	_ =	sdelay $0x1  }
0x99: {  	s20 =	simm.s32 $_scs_section_size  }
0x9a: {  	s4 =	simm.s32 $_size__tile_overlayer_lowered;
	s5 =	simm.s32 $_tile_overlayer_lowered  }
0x9b: {  	s6 =	simm.s32 $0x1BFF;
	s21 =	sshll.u32 s5, $0x1;
	s3 =	sadd.s32 s20, s19  }
0x9c: {  	s22 =	simm.s32 $0x0;
	s4 =	sshll.u32 s4, $0x1;
	s5 =	sadd.s32 s21, s3  }
0x9d: {  	[timem:s22], [sflag:s6] =	dma.local [hbm:s5], s4  }
0x9e: {  	_ =	swait.ge [sflag:s6], s4  }
0x9f: {  	s4 =	ssub.s32 $0x0, s4;
	[sflag:s6] =	ssyncset.done $0x0  }
0xa0: {  	[sflag:s6] =	ssyncadd.s32 s4;
	_ =	sdelay $0x1  }
0xa1: {  	s23 =	simm.s32 $0x1B8B  }
0xa2: {  	_ =	swait.ge [sflag:s23], $0x1  }
0xa3: {  	[sflag:s23] =	ssyncset.done $0x0  }
0xa4: {  	[sflag:s23] =	ssyncadd.s32 $0xFFFFFFFF  }
0xa5: {  	s4 =	sld [smem:$0x0]  }
0xa6: {  	s5 =	sand.u32 $0xFFFFFFFE, s1  }
0xa7: {  	p0 =	sne.s32 s1, s5  }
0xa8: {  	s5 =	sshll.u32 @p0 s5, $0xE  }
0xa9: {  	s5 =	sadd.s32 @p0 $0x11B8D, s5;
	s6 =	sshll.u32 @p0 s4, $0x11  }
0xaa: {  	s5 =	sor.u32 @p0 s6, s5  }
0xab: {  	[sflag:s5] =	ssyncadd.remote.s32 @p0 $0x1;
	_ =	sdelay $0x1  }
0xac: {  	s5 =	simm.s32 @p0 $0x1B8D  }
0xad: {  	_ =	swait.eq @p0 [sflag:s5], $0x1  }
0xae: {  	[sflag:s5] =	ssyncadd.s32 @p0 $0xFFFFFFFF  }
0xaf: {  	s6 =	sshll.u32 @!p0 s1, $0xE  }
0xb0: {  	s6 =	sor.u32 @!p0 $0x4000, s6;
	s5 =	simm.s32 @!p0 $0x1B8D  }
0xb1: {  	s4 =	sshll.u32 @!p0 s4, $0x11;
	s6 =	sadd.s32 @!p0 $0x11B8D, s6;
	_ =	swait.eq @!p0 [sflag:s5], $0x1  }
0xb2: {  	s4 =	sor.u32 @!p0 s4, s6;
	[sflag:s5] =	ssyncadd.s32 @!p0 $0xFFFFFFFF  }
0xb3: {  	s25 =	simm.s32 $0x1B8E;
	s24 =	sld [smem:$0x3FFE];
	[sflag:s4] =	ssyncadd.remote.s32 @!p0 $0x1  }
0xb4: {  	s26 =	simm.s32 $execute0_lowered;
	[smem:$0x3FD2] =	sst s25  }
0xb5: {  	s5 =	sshll.u32 s26, $0x1;
	_ =	strace $0x80000049;
	[dreg:$0x1] =	wrdreg $0xFFFFFFFF  }
0xb6: {  	s28 =	simm.s32 $_size_execute0_lowered;
	s3 =	sadd.s32 s3, s5;
	[dreg:$0x0] =	wrdreg $0x0  }
0xb7: {  	s5 =	sshll.u32 s28, $0x1;
	[dreg:$0x2] =	wrdreg s3  }
0xb8: {  	[dreg:$0x3] =	wrdreg s5  }
0xb9: {  	[dreg:$0x4] =	wrdreg $0xC0  }
0xba: {  	_ =	task [dreg:s22], $0x5FFFF  }
0xbb: {  	[dreg:$0x1] =	wrdreg $0xFFFFFFFF  }
0xbc: {  	[dreg:$0x0] =	wrdreg $0x60  }
0xbd: {  	[dreg:$0x2] =	wrdreg s24  }
0xbe: {  	[dreg:$0x3] =	wrdreg $0x40800  }
0xbf: {  	[dreg:$0x4] =	wrdreg $0x9  }
0xc0: {  	_ =	task.clear_ibuf [dreg:s22], $0x5FFFF;
	_ =	strace $0x90000049  }
0xc1: {  	s29 =	simm.s32 $0x9;
	_ =	strace $0x8000004B  }
0xc2: {  	_ =	swait.ge [sflag:s29], $0x1  }
0xc3: {  	[sflag:s29] =	ssyncadd.s32 $0xFFFFFFFF  }
0xc4: {  	_ =	strace $0x9000004B  }
0xc5: {  	_ =	sfence  }
0xc6: {  	s30 =	sld [smem:$0x0];
	_ =	sdelay $0x2  }
0xc7: {  	s31 =	sshll.u32 s1, $0xD;
	s1 =	sshrl.u32 s1, $0x2  }
0xc8: {  	s4 =	sand.u32 $0x4000, s31;
	s1 =	sadd.s32 s1, s30  }
0xc9: {  	s0 =	sor.u32 s4, s0;
	s1 =	sshll.u32 s1, $0x11  }
0xca: {  	s0 =	sor.u32 s1, s0  }
0xcb: {  	s0 =	sadd.s32 $0x8F2B, s0  }
0xcc: {  	[sflag:s0] =	ssyncadd.remote.s32 $0x1  }
0xcd: {  	_ =	sfence.sel $0xFFFF  }
0xce: {  	[dreg:$0x0] =	wrdreg $0xFFFFFFFF;
	(pc) =	sbr.abs _section_cstart, $3  }
0xcf: {  	[dreg:$0x1] =	wrdreg $0xFFFFFFFF  }
0xd0: {  	_ =	task.clear_ibuf [dreg:s22], $0x2FFFF;
	_ =	strace $0x9FFFFFFF  }
0xd1: {  	(tm) =	ssettm $0x7FFFFFFF  }
tec
execute0_lowered:
.L_overlay_start_1:
0x0: {  	(tag) =	ssettag $0x1  }
0x1: {  	s0 =	stileid.u32  }
0x2: {  	s1 =	srdreg.scid;
	s6 =	rddreg [dreg:$0x0]  }
0x3: {  	s2 =	rddreg [dreg:$0x1];
	s4 =	smul.u32 $0x9E0, s0  }
0x4: {  	s3 =	simm.s32 $0x0;
	s13 =	simm.s32 $0x0;
	s8 =	smul.u32 $0x14000, s0  }
0x5: {  	s7 =	sand.u32 $0x1, s1;
	s1 =	rddreg [dreg:$0x2];
	s10 =	smul.u32 $0x50000, s0  }
0x6: {  	[smem:$0x7FF] =	sst s3;
	s31 =	sshll.u32 s0, $0x6;
	s5 =	smul.u32 $0x140000, s7  }
0x7: {  	_ =	strace $0x8000004A;
	s30 =	ssub.s32 $0x2, s7;
	s12 =	smul.u32 $0x4F0, s7  }
0x8: {  	s9 =	sadd.s32 s4, s6;
	s4 =	sadd.s32 $0x35000, s6;
	s11 =	sshrl.u32 s30, $0x1  }
0x9: {  	s10 =	sshrl.u32 s10, $0x2;
	s5 =	sadd.s32 s8, s5;
	s11 =	ssub.s32 s30, s11  }
0xa: {  	s10 =	sadd.s32 s10, s2;
	s9 =	sadd.s32 s12, s9;
	s12 =	simm.s32 $0x80  }
0xb: {  	s8 =	sshrl.u32 s5, $0x3;
	s5 =	sadd.s32 $0x87800, s6;
	s9 =	sadd.s32 $0x3200, s9  }
0xc: {  	s10 =	sshrl.u32 s10, $0x3;
	s8 =	sadd.s32 s8, s6;
	s6 =	sor.u32 $0x1C01, s31  }
0xd: {  	s7 =	sadd.s32 $0x88000, s8;
	s8 =	smax.u32 s11, $0x1;
	s11 =	simm.s32 $0x1  }
.LBB2_1:
0xe: {  	[spmem:s10], [sflag:s6] =	dma.local [hbm:s4], $0x2800  }
0xf: {  	_ =	swait.ge [sflag:s11], $0x2800  }
0x10: {  	[sflag:s11] =	ssyncset.done $0x0  }
0x11: {  	[sflag:s11] =	ssyncadd.s32 $0xFFFFD800  }
0x12: {  	[tilespmem:s12], [sflag:$0x1] =	stream.linear.gather [hbm4b:s5+s3], $0x4000, $0x38;
	[tilespmem:$0x18080] =	vst v63  }
0x13: {  	_ =	swait.ge [sflag:s11], $0x4000  }
0x14: {  	[sflag:s11] =	ssyncset.done $0x0  }
0x15: {  	[sflag:s11] =	ssyncadd.s32 $0xFFFFC000  }
0x16: {  	s14 =	sadd.s32 $0x0, s9;
	[bflag:$0x0] =	sbarrier.arrive $0xFFFF  }
0x17: {  	[tilespmem:s3], [sflag:$0x1] =	stream.linear.gather [hbm4b:s14+s3], $0x80, $0x38;
	[tilespmem:$0x18080] =	vst v63  }
0x18: {  	_ =	swait.ge [sflag:s11], $0x80  }
0x19: {  	[sflag:s11] =	ssyncset.done $0x0  }
0x1a: {  	[sflag:s11] =	ssyncadd.s32 $0xFFFFFF80  }
0x1b: {  	[spmem:s2] =	stream.indirect.scatter.add.f32 [tilespmem:s12], [sflag:$0x1], $0x80, s3, s12, $0xb8;
	[tilespmem:$0x18080] =	vst v63  }
0x1c: {  	_ =	swait.ge [sflag:s11], $0x4000  }
0x1d: {  	s15 =	simm.s32 $0x20;
	s14 =	simm.s32 $0x10;
	[sflag:s11] =	ssyncset.done $0x0  }
.LBB2_2:
0x1e: {  	s16 =	sadd.s32 s14, s9  }
0x1f: {  	[sflag:s11] =	ssyncadd.s32 $0xFFFFC000;
	s14 =	smov.u32 s15;
	s17 =	sadd.s32 $0x10, s15  }
0x20: {  	[tilespmem:s3], [sflag:$0x1] =	stream.linear.gather [hbm4b:s16+s3], $0x80, $0x38;
	[tilespmem:$0x18080] =	vst v63  }
0x21: {  	p0 =	sne.s32 s15, $0x4E0;
	_ =	swait.ge [sflag:s11], $0x80  }
.Ltmp0:
0x22: {  	[sflag:s11] =	ssyncset.done $0x0;
	(pc) =	sbr.rel @p0 .LBB2_2-.Ltmp0, $4  }
0x23: {  	[sflag:s11] =	ssyncadd.s32 $0xFFFFFF80  }
0x24: {  	[spmem:s2] =	stream.indirect.scatter.add.f32 [tilespmem:s12], [sflag:$0x1], $0x80, s3, s12, $0xb8;
	[tilespmem:$0x18080] =	vst v63  }
0x25: {  	_ =	swait.ge [sflag:s11], $0x4000  }
0x26: {  	s15 =	smov.u32 s17;
	[sflag:s11] =	ssyncset.done $0x0  }
0x27: {  	s14 =	sadd.s32 s14, s9;
	[sflag:s11] =	ssyncadd.s32 $0xFFFFC000  }
0x28: {  	[tilespmem:s3], [sflag:$0x1] =	stream.linear.gather [hbm4b:s14+s3], $0x80, $0x38;
	[tilespmem:$0x18080] =	vst v63  }
0x29: {  	_ =	swait.ge [sflag:s11], $0x80  }
0x2a: {  	[sflag:s11] =	ssyncset.done $0x0  }
0x2b: {  	[sflag:s11] =	ssyncadd.s32 $0xFFFFFF80  }
0x2c: {  	[spmem:s2] =	stream.indirect.scatter.add.f32 [tilespmem:s12], [sflag:$0x1], $0x80, s3, s12, $0xb8;
	[tilespmem:$0x18080] =	vst v63  }
0x2d: {  	_ =	swait.ge [sflag:s11], $0x4000  }
0x2e: {  	s13 =	sadd.s32 $0x1, s13;
	[sflag:s11] =	ssyncset.done $0x0  }
0x2f: {  	p0 =	sne.s32 s13, s8;
	[sflag:s11] =	ssyncadd.s32 $0xFFFFC000  }
.Ltmp1:
0x30: {  	[bflag:$0x0] =	sbarrier.arrive $0xFFFF;
	(pc) =	sbr.rel @p0 .LBB2_1-.Ltmp1, $4  }
0x31: {  	[hbm:s7], [sflag:s6] =	dma.local [spmem:s10], $0x2800  }
0x32: {  	_ =	swait.ge [sflag:s11], $0x2800  }
0x33: {  	[sflag:s11] =	ssyncset.done $0x0  }
0x34: {  	[sflag:s11] =	ssyncadd.s32 $0xFFFFD800  }
0x35: {  	_ =	sfence.sel $0x180000  }
0x36: {  	[bflag:$0x0] =	sbarrier.arrive $0xFFFF  }
0x37: {  	p0 =	sne.s32 s0, $0x0;
	_ =	strace $0x9000004A  }
0x38: {  	s0 =	sadd.s32 @!p0 $0x100000, s1;
	[bflag:$0x2] =	sbarrier.arrive $0xFFFF  }
0x39: {  	[sflag:s0] =	ssyncadd.tile.s32 @!p0 $0x1;
	_ =	shalt  }
.Lfunc_end2:
_tile_overlayer_lowered:
.L_overlay_start_2:
0x3a: {  	(tag) =	ssettag $0x2  }
0x3b: {  	s0 =	rddreg [dreg:$0x0];
	s2 =	stileid.u32  }
0x3c: {  	s1 =	rddreg [dreg:$0x1];
	p0 =	sne.s32 s2, $0x0  }
0x3d: {  	s3 =	rddreg [dreg:$0x2];
	[bflag:$0x3] =	sbarrier.arrive $0xFFFF;
	s2 =	simm.s32 @!p0 $0x1C01  }
0x3e: {  	[timem:s3], [sflag:s2] =	dma.local @!p0 [hbm:s0], s1  }
0x3f: {  	s0 =	simm.s32 @!p0 $0x1  }
0x40: {  	_ =	swait.ge @!p0 [sflag:s0], s1  }
0x41: {  	s1 =	ssub.s32 @!p0 $0x0, s1;
	[sflag:s0] =	ssyncset.done @!p0 $0x0  }
0x42: {  	[sflag:s0] =	ssyncadd.s32 @!p0 s1  }
0x43: {  	[bflag:$0x3] =	sbarrier.arrive $0xFFFF  }
0x44: {  	_ =	shalt  }

</sc_bundles>
